<compile_context>
chip_gen: v7x
topology: tpu7x:2x2x1
jax: 0.10.2.dev20260603
libtpu: 0.0.44.dev20260713+nightly
codegen_flags: <defaults>
</compile_context>

<pallas_src>
import functools

import jax
import jax.numpy as jnp
from jax import lax
from jax.experimental import pallas as pl
from jax.experimental.pallas import tpu as pltpu
from jax.experimental.pallas import tpu_sc as plsc

EMBED = 64
LN_EPS = 1e-12

_NC = 2
_NS = 16
_NW = _NC * _NS
_LANES = 16
_Q = EMBED // _LANES

_B_BLK = 1024


def _rsqrt_scalar(v):
    i = lax.bitcast_convert_type(v, jnp.int32)
    i = jnp.int32(0x5F3759DF) - lax.shift_right_logical(i, 1)
    y = lax.bitcast_convert_type(i, jnp.float32)
    for _ in range(3):
        y = y * (1.5 - 0.5 * v * y * y)
    return y


def _make_sc_kernel(n_rows):
    rows_per_worker = n_rows // _NW
    n_blk = rows_per_worker // _B_BLK
    mesh = plsc.VectorSubcoreMesh(core_axis_name="c", subcore_axis_name="s")

    @functools.partial(
        pl.kernel,
        mesh=mesh,
        out_type=jax.ShapeDtypeStruct((n_rows, EMBED), jnp.float32),
        scratch_types=[
            pltpu.VMEM((_B_BLK,), jnp.int32),
            pltpu.VMEM((_B_BLK, EMBED), jnp.float32),
            pltpu.VMEM((EMBED,), jnp.float32),
            pltpu.VMEM((EMBED,), jnp.float32),
            pltpu.SemaphoreType.DMA,
        ],
        compiler_params=pltpu.CompilerParams(
            needs_layout_passes=False, use_tc_tiling_on_sc=False
        ),
    )
    def sc_kernel(idx_hbm, table_hbm, gamma_hbm, beta_hbm, out_hbm,
                  idx_v, rows_v, gamma_v, beta_v, sem):
        wid = lax.axis_index("s") * _NC + lax.axis_index("c")
        base = wid * rows_per_worker

        pltpu.sync_copy(gamma_hbm, gamma_v)
        pltpu.sync_copy(beta_hbm, beta_v)

        def block_body(blk, _):
            row0 = base + blk * _B_BLK
            pltpu.sync_copy(idx_hbm.at[pl.ds(row0, _B_BLK)], idx_v)
            pltpu.async_copy(table_hbm.at[idx_v], rows_v, sem).wait()

            g = [gamma_v[pl.ds(q * _LANES, _LANES)] for q in range(_Q)]
            b = [beta_v[pl.ds(q * _LANES, _LANES)] for q in range(_Q)]

            def row_body(r, _):
                x = [rows_v[r, pl.ds(q * _LANES, _LANES)] for q in range(_Q)]
                t = (x[0] + x[1]) + (x[2] + x[3])
                t2 = (x[0] * x[0] + x[1] * x[1]) + (x[2] * x[2] + x[3] * x[3])
                s = jnp.sum(t)
                ss = jnp.sum(t2)
                mean = s * (1.0 / EMBED)
                var = ss * (1.0 / EMBED) - mean * mean
                inv = _rsqrt_scalar(var + LN_EPS)
                for q in range(_Q):
                    yv = (x[q] - mean) * inv * g[q] + b[q]
                    rows_v[r, pl.ds(q * _LANES, _LANES)] = yv
                return 0

            lax.fori_loop(0, _B_BLK, row_body, 0, unroll=4)
            pltpu.sync_copy(rows_v, out_hbm.at[pl.ds(row0, _B_BLK)])
            return 0

        lax.fori_loop(0, n_blk, block_body, 0)

    return sc_kernel


def kernel(x, table, gamma, beta):
    batch, seqlen = x.shape
    n_rows = batch * seqlen
    x_flat = x.reshape(n_rows)
    out = _make_sc_kernel(n_rows)(x_flat, table, gamma, beta)
    return out.reshape(batch, seqlen, EMBED)

# --- scband reference (transcript-rebuilt; emitter-appended) ---
"""Pipeline reference for scband-word-embedding-24240795418869 (READ-ONLY COPY).

The authoritative reference and input builder live on the scoring server;
editing this copy changes nothing except your own understanding.
"""

import jax, jax.numpy as jnp
import numpy as np

VOCAB = 1000000
EMBED = 64
LN_EPS = 1e-12


def setup_inputs(seed: int = 0) -> dict:
    key = jax.random.key(seed)
    k1, k2 = jax.random.split(key)
    x = jax.random.randint(k1, (4096, 200), 0, VOCAB, dtype=jnp.int64 if jax.config.jax_enable_x64 else jnp.int32).astype(jnp.int32)
    table = jax.random.normal(k2, (VOCAB, EMBED), dtype=jnp.float32) * 0.02
    gamma = jnp.ones((EMBED,), dtype=jnp.float32)
    beta = jnp.zeros((EMBED,), dtype=jnp.float32)
    return {"x": x, "table": table, "gamma": gamma, "beta": beta}


def reference(x, table, gamma, beta):
    # embedding lookup (gather)
    emb = jnp.take(table, x, axis=0)  # [B, L, E]
    # dropout with p=0.0 is identity
    # layer norm over last dim
    mean = jnp.mean(emb, axis=-1, keepdims=True)
    var = jnp.mean(jnp.square(emb - mean), axis=-1, keepdims=True)
    normed = (emb - mean) / jnp.sqrt(var + LN_EPS)
    out = normed * gamma + beta
    return out

if __name__ == "__main__":
    import jax
    _d = setup_inputs()
    print(jax.jit(kernel)(*tuple(_d.values())))

</pallas_src>

<mosaic_0001>
#map = affine_map<(d0, d1) -> (0)>
#map1 = affine_map<(d0, d1) -> (0, 0)>
module attributes {stable_mosaic.version = 14 : i64} {
  func.func @sc_kernel(%arg0: i32, %arg1: i32, %arg2: memref<819200xi32, #tpu.memory_space<hbm>>, %arg3: memref<1000000x64xf32, #tpu.memory_space<hbm>>, %arg4: memref<64xf32, #tpu.memory_space<hbm>>, %arg5: memref<64xf32, #tpu.memory_space<hbm>>, %arg6: memref<819200x64xf32, #tpu.memory_space<hbm>>, %arg7: memref<1024xi32, #tpu.memory_space<vmem>>, %arg8: memref<1024x64xf32, #tpu.memory_space<vmem>>, %arg9: memref<64xf32, #tpu.memory_space<vmem>>, %arg10: memref<64xf32, #tpu.memory_space<vmem>>, %arg11: memref<!tpu.dma_semaphore, #tpu.memory_space<semaphore_mem>>) attributes {dimension_semantics = [#tpu.dimension_semantics<core_parallel>, #tpu.dimension_semantics<subcore_parallel>], iteration_bounds = array<i64: 2, 16>, scalar_prefetch = 0 : i64, scratch_operands = 5 : i64, tpu.core_type = #tpu.core_type<sc_vector_subcore>, window_params = [{transform_indices = #map}, {transform_indices = #map1}, {transform_indices = #map}, {transform_indices = #map}, {transform_indices = #map1}]} {
    %mul3A = arith.constant 2 : i32
    %mul3A_0 = arith.muli %arg1, %mul3A : i32
    %add3A = arith.addi %mul3A_0, %arg0 : i32
    %mul3A_1 = arith.constant 25600 : i32
    %mul3A_2 = arith.muli %add3A, %mul3A_1 : i32
    "tpu.region"() ({
      %run_scoped3A = tpu.sem_alloc : memref<!tpu.dma_semaphore, #tpu.memory_space<semaphore_mem>>
      tpu.enqueue_dma source(%arg4 : memref<64xf32, #tpu.memory_space<hbm>>) target(%arg9 : memref<64xf32, #tpu.memory_space<vmem>>) target_semaphore(%run_scoped3A : memref<!tpu.dma_semaphore, #tpu.memory_space<semaphore_mem>>)
      tpu.wait_dma2 semaphore(%run_scoped3A : memref<!tpu.dma_semaphore, #tpu.memory_space<semaphore_mem>>) src(%arg4 : memref<64xf32, #tpu.memory_space<hbm>>) dst(%arg9 : memref<64xf32, #tpu.memory_space<vmem>>)
      tpu.yield
    }) : () -> ()
    "tpu.region"() ({
      %run_scoped3A = tpu.sem_alloc : memref<!tpu.dma_semaphore, #tpu.memory_space<semaphore_mem>>
      tpu.enqueue_dma source(%arg5 : memref<64xf32, #tpu.memory_space<hbm>>) target(%arg10 : memref<64xf32, #tpu.memory_space<vmem>>) target_semaphore(%run_scoped3A : memref<!tpu.dma_semaphore, #tpu.memory_space<semaphore_mem>>)
      tpu.wait_dma2 semaphore(%run_scoped3A : memref<!tpu.dma_semaphore, #tpu.memory_space<semaphore_mem>>) src(%arg5 : memref<64xf32, #tpu.memory_space<hbm>>) dst(%arg10 : memref<64xf32, #tpu.memory_space<vmem>>)
      tpu.yield
    }) : () -> ()
    %scan3A = arith.constant 0 : i32
    %scan3A_3 = arith.constant 0 : i32
    %scan3A_4 = arith.constant 25 : i32
    %scan3A_5 = arith.addi %scan3A_3, %scan3A_4 : i32
    %scan3A_6 = arith.constant 1 : i32
    %scan3A_7 = scf.for %scan3A_9 = %scan3A_3 to %scan3A_5 step %scan3A_6 iter_args(%scan3A_10 = %scan3A) -> (i32)  : i32 {
      %mul3A_11 = arith.constant 1024 : i32
      %mul3A_12 = arith.muli %scan3A_9, %mul3A_11 : i32
      %add3A_13 = arith.addi %mul3A_2, %mul3A_12 : i32
      "tpu.region"() ({
        %run_scoped3A = tpu.sem_alloc : memref<!tpu.dma_semaphore, #tpu.memory_space<semaphore_mem>>
        %dma_start3A_41 = tpu.memref_slice %arg2[%add3A_13] : memref<819200xi32, #tpu.memory_space<hbm>> -> memref<1024xi32, #tpu.memory_space<hbm>>
        %dma_start3A_42 = tpu.memref_slice %arg2[%add3A_13] : memref<819200xi32, #tpu.memory_space<hbm>> -> memref<1024xi32, #tpu.memory_space<hbm>>
        tpu.enqueue_dma source(%dma_start3A_42 : memref<1024xi32, #tpu.memory_space<hbm>>) target(%arg7 : memref<1024xi32, #tpu.memory_space<vmem>>) target_semaphore(%run_scoped3A : memref<!tpu.dma_semaphore, #tpu.memory_space<semaphore_mem>>)
        %dma_wait3A_43 = tpu.memref_slice %arg2[%add3A_13] : memref<819200xi32, #tpu.memory_space<hbm>> -> memref<1024xi32, #tpu.memory_space<hbm>>
        %dma_wait3A_44 = tpu.memref_slice %arg2[%add3A_13] : memref<819200xi32, #tpu.memory_space<hbm>> -> memref<1024xi32, #tpu.memory_space<hbm>>
        tpu.wait_dma2 semaphore(%run_scoped3A : memref<!tpu.dma_semaphore, #tpu.memory_space<semaphore_mem>>) src(%dma_wait3A_44 : memref<1024xi32, #tpu.memory_space<hbm>>) dst(%arg7 : memref<1024xi32, #tpu.memory_space<vmem>>)
        tpu.yield
      }) : () -> ()
      %dma_start3A = arith.constant 0 : i32
      %dma_start3A_14 = arith.constant 0 : i32
      %dma_start3A_15 = tpu.memref_slice %arg3[%dma_start3A, %dma_start3A_14] : memref<1000000x64xf32, #tpu.memory_space<hbm>> -> memref<1000000x64xf32, #tpu.memory_space<hbm>>
      tpu.enqueue_indirect_dma source(%dma_start3A_15 : memref<1000000x64xf32, #tpu.memory_space<hbm>>) target(%arg8 : memref<1024x64xf32, #tpu.memory_space<vmem>>) offsets(%arg7 : memref<1024xi32, #tpu.memory_space<vmem>>) semaphore(%arg11 : memref<!tpu.dma_semaphore, #tpu.memory_space<semaphore_mem>>)
      %dma_wait3A = arith.constant 0 : i32
      %dma_wait3A_16 = arith.constant 0 : i32
      %dma_wait3A_17 = tpu.memref_slice %arg3[%dma_wait3A, %dma_wait3A_16] : memref<1000000x64xf32, #tpu.memory_space<hbm>> -> memref<1000000x64xf32, #tpu.memory_space<hbm>>
      tpu.wait_indirect_dma semaphore(%arg11 : memref<!tpu.dma_semaphore, #tpu.memory_space<semaphore_mem>>) src(%dma_wait3A_17 : memref<1000000x64xf32, #tpu.memory_space<hbm>>) dst(%arg8 : memref<1024x64xf32, #tpu.memory_space<vmem>>)
      %get3A = arith.constant 0 : index
      %get3A_18 = tpu.vector_load %arg9[%get3A] {strides = array<i32>} : memref<64xf32, #tpu.memory_space<vmem>>, vector<16xf32>,
      %get3A_19 = arith.constant 16 : index
      %get3A_20 = tpu.vector_load %arg9[%get3A_19] {strides = array<i32>} : memref<64xf32, #tpu.memory_space<vmem>>, vector<16xf32>,
      %get3A_21 = arith.constant 32 : index
      %get3A_22 = tpu.vector_load %arg9[%get3A_21] {strides = array<i32>} : memref<64xf32, #tpu.memory_space<vmem>>, vector<16xf32>,
      %get3A_23 = arith.constant 48 : index
      %get3A_24 = tpu.vector_load %arg9[%get3A_23] {strides = array<i32>} : memref<64xf32, #tpu.memory_space<vmem>>, vector<16xf32>,
      %get3A_25 = arith.constant 0 : index
      %get3A_26 = tpu.vector_load %arg10[%get3A_25] {strides = array<i32>} : memref<64xf32, #tpu.memory_space<vmem>>, vector<16xf32>,
      %get3A_27 = arith.constant 16 : index
      %get3A_28 = tpu.vector_load %arg10[%get3A_27] {strides = array<i32>} : memref<64xf32, #tpu.memory_space<vmem>>, vector<16xf32>,
      %get3A_29 = arith.constant 32 : index
      %get3A_30 = tpu.vector_load %arg10[%get3A_29] {strides = array<i32>} : memref<64xf32, #tpu.memory_space<vmem>>, vector<16xf32>,
      %get3A_31 = arith.constant 48 : index
      %get3A_32 = tpu.vector_load %arg10[%get3A_31] {strides = array<i32>} : memref<64xf32, #tpu.memory_space<vmem>>, vector<16xf32>,
      %scan3A_33 = arith.constant 0 : i32
      %scan3A_34 = arith.constant 0 : i32
      %scan3A_35 = arith.constant 1024 : i32
      %scan3A_36 = arith.addi %scan3A_34, %scan3A_35 : i32
      %scan3A_37 = arith.constant 4 : i32
      %scan3A_38 = scf.for %scan3A_41 = %scan3A_34 to %scan3A_36 step %scan3A_37 iter_args(%scan3A_42 = %scan3A_33) -> (i32)  : i32 {
        %get3A_43 = arith.index_cast %scan3A_41 : i32 to index
        %get3A_44 = arith.constant 0 : index
        %get3A_45 = tpu.vector_load %arg8[%get3A_43, %get3A_44] {strides = array<i32>} : memref<1024x64xf32, #tpu.memory_space<vmem>>, vector<16xf32>,
        %get3A_46 = arith.index_cast %scan3A_41 : i32 to index
        %get3A_47 = arith.constant 16 : index
        %get3A_48 = tpu.vector_load %arg8[%get3A_46, %get3A_47] {strides = array<i32>} : memref<1024x64xf32, #tpu.memory_space<vmem>>, vector<16xf32>,
        %get3A_49 = arith.index_cast %scan3A_41 : i32 to index
        %get3A_50 = arith.constant 32 : index
        %get3A_51 = tpu.vector_load %arg8[%get3A_49, %get3A_50] {strides = array<i32>} : memref<1024x64xf32, #tpu.memory_space<vmem>>, vector<16xf32>,
        %get3A_52 = arith.index_cast %scan3A_41 : i32 to index
        %get3A_53 = arith.constant 48 : index
        %get3A_54 = tpu.vector_load %arg8[%get3A_52, %get3A_53] {strides = array<i32>} : memref<1024x64xf32, #tpu.memory_space<vmem>>, vector<16xf32>,
        %add3A_55 = arith.addf %get3A_45, %get3A_48 : vector<16xf32>
        %add3A_56 = arith.addf %get3A_51, %get3A_54 : vector<16xf32>
        %add3A_57 = arith.addf %add3A_55, %add3A_56 : vector<16xf32>
        %mul3A_58 = arith.mulf %get3A_45, %get3A_45 : vector<16xf32>
        %mul3A_59 = arith.mulf %get3A_48, %get3A_48 : vector<16xf32>
        %add3A_60 = arith.addf %mul3A_58, %mul3A_59 : vector<16xf32>
        %mul3A_61 = arith.mulf %get3A_51, %get3A_51 : vector<16xf32>
        %mul3A_62 = arith.mulf %get3A_54, %get3A_54 : vector<16xf32>
        %add3A_63 = arith.addf %mul3A_61, %mul3A_62 : vector<16xf32>
        %add3A_64 = arith.addf %add3A_60, %add3A_63 : vector<16xf32>
        %reduce_sum3A = arith.constant true
        %reduce_sum3A_65 = vector.broadcast %reduce_sum3A : i1 to vector<16xi1>
        %reduce_sum3A_66 = tpu.scan <sum>, %add3A_57 masked %reduce_sum3A_65 : vector<16xf32>, vector<16xi1> -> vector<16xf32>
        %reduce_sum3A_67 = vector.extract %reduce_sum3A_66[15] : f32 from vector<16xf32>
        %reduce_sum3A_68 = arith.constant true
        %reduce_sum3A_69 = vector.broadcast %reduce_sum3A_68 : i1 to vector<16xi1>
        %reduce_sum3A_70 = tpu.scan <sum>, %add3A_64 masked %reduce_sum3A_69 : vector<16xf32>, vector<16xi1> -> vector<16xf32>
        %reduce_sum3A_71 = vector.extract %reduce_sum3A_70[15] : f32 from vector<16xf32>
        %mul3A_72 = arith.constant 1.562500e-02 : f32
        %mul3A_73 = arith.mulf %reduce_sum3A_67, %mul3A_72 : f32
        %mul3A_74 = arith.constant 1.562500e-02 : f32
        %mul3A_75 = arith.mulf %reduce_sum3A_71, %mul3A_74 : f32
        %mul3A_76 = arith.mulf %mul3A_73, %mul3A_73 : f32
        %sub3A = arith.subf %mul3A_75, %mul3A_76 : f32
        %add3A_77 = arith.constant 9.99999996E-13 : f32
        %add3A_78 = arith.addf %sub3A, %add3A_77 : f32
        %bitcast_convert_type3A = arith.bitcast %add3A_78 : f32 to i32
        %shift_right_logical3A = arith.constant 1 : i32
        %shift_right_logical3A_79 = arith.shrui %bitcast_convert_type3A, %shift_right_logical3A : i32
        %sub3A_80 = arith.constant 1597463007 : i32
        %sub3A_81 = arith.subi %sub3A_80, %shift_right_logical3A_79 : i32
        %bitcast_convert_type3A_82 = arith.bitcast %sub3A_81 : i32 to f32
        %mul3A_83 = arith.constant 5.000000e-01 : f32
        %mul3A_84 = arith.mulf %mul3A_83, %add3A_78 : f32
        %mul3A_85 = arith.mulf %mul3A_84, %bitcast_convert_type3A_82 : f32
        %mul3A_86 = arith.mulf %mul3A_85, %bitcast_convert_type3A_82 : f32
        %sub3A_87 = arith.constant 1.500000e+00 : f32
        %sub3A_88 = arith.subf %sub3A_87, %mul3A_86 : f32
        %mul3A_89 = arith.mulf %bitcast_convert_type3A_82, %sub3A_88 : f32
        %mul3A_90 = arith.constant 5.000000e-01 : f32
        %mul3A_91 = arith.mulf %mul3A_90, %add3A_78 : f32
        %mul3A_92 = arith.mulf %mul3A_91, %mul3A_89 : f32
        %mul3A_93 = arith.mulf %mul3A_92, %mul3A_89 : f32
        %sub3A_94 = arith.constant 1.500000e+00 : f32
        %sub3A_95 = arith.subf %sub3A_94, %mul3A_93 : f32
        %mul3A_96 = arith.mulf %mul3A_89, %sub3A_95 : f32
        %mul3A_97 = arith.constant 5.000000e-01 : f32
        %mul3A_98 = arith.mulf %mul3A_97, %add3A_78 : f32
        %mul3A_99 = arith.mulf %mul3A_98, %mul3A_96 : f32
        %mul3A_100 = arith.mulf %mul3A_99, %mul3A_96 : f32
        %sub3A_101 = arith.constant 1.500000e+00 : f32
        %sub3A_102 = arith.subf %sub3A_101, %mul3A_100 : f32
        %mul3A_103 = arith.mulf %mul3A_96, %sub3A_102 : f32
        %sub3A_104 = vector.broadcast %mul3A_73 : f32 to vector<16xf32>
        %sub3A_105 = arith.subf %get3A_45, %sub3A_104 : vector<16xf32>
        %mul3A_106 = vector.broadcast %mul3A_103 : f32 to vector<16xf32>
        %mul3A_107 = arith.mulf %sub3A_105, %mul3A_106 : vector<16xf32>
        %mul3A_108 = arith.mulf %mul3A_107, %get3A_18 : vector<16xf32>
        %add3A_109 = arith.addf %mul3A_108, %get3A_26 : vector<16xf32>
        %swap3A = arith.index_cast %scan3A_41 : i32 to index
        %swap3A_110 = arith.constant 0 : index
        %swap3A_111 = tpu.vector_load %arg8[%swap3A, %swap3A_110] {strides = array<i32>} : memref<1024x64xf32, #tpu.memory_space<vmem>>, vector<16xf32>,
        tpu.vector_store %arg8[%swap3A, %swap3A_110], %add3A_109 {strides = array<i32>} : memref<1024x64xf32, #tpu.memory_space<vmem>>, vector<16xf32>,
        %sub3A_112 = vector.broadcast %mul3A_73 : f32 to vector<16xf32>
        %sub3A_113 = arith.subf %get3A_48, %sub3A_112 : vector<16xf32>
        %mul3A_114 = vector.broadcast %mul3A_103 : f32 to vector<16xf32>
        %mul3A_115 = arith.mulf %sub3A_113, %mul3A_114 : vector<16xf32>
        %mul3A_116 = arith.mulf %mul3A_115, %get3A_20 : vector<16xf32>
        %add3A_117 = arith.addf %mul3A_116, %get3A_28 : vector<16xf32>
        %swap3A_118 = arith.index_cast %scan3A_41 : i32 to index
        %swap3A_119 = arith.constant 16 : index
        %swap3A_120 = tpu.vector_load %arg8[%swap3A_118, %swap3A_119] {strides = array<i32>} : memref<1024x64xf32, #tpu.memory_space<vmem>>, vector<16xf32>,
        tpu.vector_store %arg8[%swap3A_118, %swap3A_119], %add3A_117 {strides = array<i32>} : memref<1024x64xf32, #tpu.memory_space<vmem>>, vector<16xf32>,
        %sub3A_121 = vector.broadcast %mul3A_73 : f32 to vector<16xf32>
        %sub3A_122 = arith.subf %get3A_51, %sub3A_121 : vector<16xf32>
        %mul3A_123 = vector.broadcast %mul3A_103 : f32 to vector<16xf32>
        %mul3A_124 = arith.mulf %sub3A_122, %mul3A_123 : vector<16xf32>
        %mul3A_125 = arith.mulf %mul3A_124, %get3A_22 : vector<16xf32>
        %add3A_126 = arith.addf %mul3A_125, %get3A_30 : vector<16xf32>
        %swap3A_127 = arith.index_cast %scan3A_41 : i32 to index
        %swap3A_128 = arith.constant 32 : index
        %swap3A_129 = tpu.vector_load %arg8[%swap3A_127, %swap3A_128] {strides = array<i32>} : memref<1024x64xf32, #tpu.memory_space<vmem>>, vector<16xf32>,
        tpu.vector_store %arg8[%swap3A_127, %swap3A_128], %add3A_126 {strides = array<i32>} : memref<1024x64xf32, #tpu.memory_space<vmem>>, vector<16xf32>,
        %sub3A_130 = vector.broadcast %mul3A_73 : f32 to vector<16xf32>
        %sub3A_131 = arith.subf %get3A_54, %sub3A_130 : vector<16xf32>
        %mul3A_132 = vector.broadcast %mul3A_103 : f32 to vector<16xf32>
        %mul3A_133 = arith.mulf %sub3A_131, %mul3A_132 : vector<16xf32>
        %mul3A_134 = arith.mulf %mul3A_133, %get3A_24 : vector<16xf32>
        %add3A_135 = arith.addf %mul3A_134, %get3A_32 : vector<16xf32>
        %swap3A_136 = arith.index_cast %scan3A_41 : i32 to index
        %swap3A_137 = arith.constant 48 : index
        %swap3A_138 = tpu.vector_load %arg8[%swap3A_136, %swap3A_137] {strides = array<i32>} : memref<1024x64xf32, #tpu.memory_space<vmem>>, vector<16xf32>,
        tpu.vector_store %arg8[%swap3A_136, %swap3A_137], %add3A_135 {strides = array<i32>} : memref<1024x64xf32, #tpu.memory_space<vmem>>, vector<16xf32>,
        %scan3A_139 = arith.constant 0 : i32
        %scan3A_140 = arith.constant 1 : i32
        %scan3A_141 = arith.addi %scan3A_41, %scan3A_140 : i32
        %get3A_142 = arith.index_cast %scan3A_141 : i32 to index
        %get3A_143 = arith.constant 0 : index
        %get3A_144 = tpu.vector_load %arg8[%get3A_142, %get3A_143] {strides = array<i32>} : memref<1024x64xf32, #tpu.memory_space<vmem>>, vector<16xf32>,
        %get3A_145 = arith.index_cast %scan3A_141 : i32 to index
        %get3A_146 = arith.constant 16 : index
        %get3A_147 = tpu.vector_load %arg8[%get3A_145, %get3A_146] {strides = array<i32>} : memref<1024x64xf32, #tpu.memory_space<vmem>>, vector<16xf32>,
        %get3A_148 = arith.index_cast %scan3A_141 : i32 to index
        %get3A_149 = arith.constant 32 : index
        %get3A_150 = tpu.vector_load %arg8[%get3A_148, %get3A_149] {strides = array<i32>} : memref<1024x64xf32, #tpu.memory_space<vmem>>, vector<16xf32>,
        %get3A_151 = arith.index_cast %scan3A_141 : i32 to index
        %get3A_152 = arith.constant 48 : index
        %get3A_153 = tpu.vector_load %arg8[%get3A_151, %get3A_152] {strides = array<i32>} : memref<1024x64xf32, #tpu.memory_space<vmem>>, vector<16xf32>,
        %add3A_154 = arith.addf %get3A_144, %get3A_147 : vector<16xf32>
        %add3A_155 = arith.addf %get3A_150, %get3A_153 : vector<16xf32>
        %add3A_156 = arith.addf %add3A_154, %add3A_155 : vector<16xf32>
        %mul3A_157 = arith.mulf %get3A_144, %get3A_144 : vector<16xf32>
        %mul3A_158 = arith.mulf %get3A_147, %get3A_147 : vector<16xf32>
        %add3A_159 = arith.addf %mul3A_157, %mul3A_158 : vector<16xf32>
        %mul3A_160 = arith.mulf %get3A_150, %get3A_150 : vector<16xf32>
        %mul3A_161 = arith.mulf %get3A_153, %get3A_153 : vector<16xf32>
        %add3A_162 = arith.addf %mul3A_160, %mul3A_161 : vector<16xf32>
        %add3A_163 = arith.addf %add3A_159, %add3A_162 : vector<16xf32>
        %reduce_sum3A_164 = arith.constant true
        %reduce_sum3A_165 = vector.broadcast %reduce_sum3A_164 : i1 to vector<16xi1>
        %reduce_sum3A_166 = tpu.scan <sum>, %add3A_156 masked %reduce_sum3A_165 : vector<16xf32>, vector<16xi1> -> vector<16xf32>
        %reduce_sum3A_167 = vector.extract %reduce_sum3A_166[15] : f32 from vector<16xf32>
        %reduce_sum3A_168 = arith.constant true
        %reduce_sum3A_169 = vector.broadcast %reduce_sum3A_168 : i1 to vector<16xi1>
        %reduce_sum3A_170 = tpu.scan <sum>, %add3A_163 masked %reduce_sum3A_169 : vector<16xf32>, vector<16xi1> -> vector<16xf32>
        %reduce_sum3A_171 = vector.extract %reduce_sum3A_170[15] : f32 from vector<16xf32>
        %mul3A_172 = arith.constant 1.562500e-02 : f32
        %mul3A_173 = arith.mulf %reduce_sum3A_167, %mul3A_172 : f32
        %mul3A_174 = arith.constant 1.562500e-02 : f32
        %mul3A_175 = arith.mulf %reduce_sum3A_171, %mul3A_174 : f32
        %mul3A_176 = arith.mulf %mul3A_173, %mul3A_173 : f32
        %sub3A_177 = arith.subf %mul3A_175, %mul3A_176 : f32
        %add3A_178 = arith.constant 9.99999996E-13 : f32
        %add3A_179 = arith.addf %sub3A_177, %add3A_178 : f32
        %bitcast_convert_type3A_180 = arith.bitcast %add3A_179 : f32 to i32
        %shift_right_logical3A_181 = arith.constant 1 : i32
        %shift_right_logical3A_182 = arith.shrui %bitcast_convert_type3A_180, %shift_right_logical3A_181 : i32
        %sub3A_183 = arith.constant 1597463007 : i32
        %sub3A_184 = arith.subi %sub3A_183, %shift_right_logical3A_182 : i32
        %bitcast_convert_type3A_185 = arith.bitcast %sub3A_184 : i32 to f32
        %mul3A_186 = arith.constant 5.000000e-01 : f32
        %mul3A_187 = arith.mulf %mul3A_186, %add3A_179 : f32
        %mul3A_188 = arith.mulf %mul3A_187, %bitcast_convert_type3A_185 : f32
        %mul3A_189 = arith.mulf %mul3A_188, %bitcast_convert_type3A_185 : f32
        %sub3A_190 = arith.constant 1.500000e+00 : f32
        %sub3A_191 = arith.subf %sub3A_190, %mul3A_189 : f32
        %mul3A_192 = arith.mulf %bitcast_convert_type3A_185, %sub3A_191 : f32
        %mul3A_193 = arith.constant 5.000000e-01 : f32
        %mul3A_194 = arith.mulf %mul3A_193, %add3A_179 : f32
        %mul3A_195 = arith.mulf %mul3A_194, %mul3A_192 : f32
        %mul3A_196 = arith.mulf %mul3A_195, %mul3A_192 : f32
        %sub3A_197 = arith.constant 1.500000e+00 : f32
        %sub3A_198 = arith.subf %sub3A_197, %mul3A_196 : f32
        %mul3A_199 = arith.mulf %mul3A_192, %sub3A_198 : f32
        %mul3A_200 = arith.constant 5.000000e-01 : f32
        %mul3A_201 = arith.mulf %mul3A_200, %add3A_179 : f32
        %mul3A_202 = arith.mulf %mul3A_201, %mul3A_199 : f32
        %mul3A_203 = arith.mulf %mul3A_202, %mul3A_199 : f32
        %sub3A_204 = arith.constant 1.500000e+00 : f32
        %sub3A_205 = arith.subf %sub3A_204, %mul3A_203 : f32
        %mul3A_206 = arith.mulf %mul3A_199, %sub3A_205 : f32
        %sub3A_207 = vector.broadcast %mul3A_173 : f32 to vector<16xf32>
        %sub3A_208 = arith.subf %get3A_144, %sub3A_207 : vector<16xf32>
        %mul3A_209 = vector.broadcast %mul3A_206 : f32 to vector<16xf32>
        %mul3A_210 = arith.mulf %sub3A_208, %mul3A_209 : vector<16xf32>
        %mul3A_211 = arith.mulf %mul3A_210, %get3A_18 : vector<16xf32>
        %add3A_212 = arith.addf %mul3A_211, %get3A_26 : vector<16xf32>
        %swap3A_213 = arith.index_cast %scan3A_141 : i32 to index
        %swap3A_214 = arith.constant 0 : index
        %swap3A_215 = tpu.vector_load %arg8[%swap3A_213, %swap3A_214] {strides = array<i32>} : memref<1024x64xf32, #tpu.memory_space<vmem>>, vector<16xf32>,
        tpu.vector_store %arg8[%swap3A_213, %swap3A_214], %add3A_212 {strides = array<i32>} : memref<1024x64xf32, #tpu.memory_space<vmem>>, vector<16xf32>,
        %sub3A_216 = vector.broadcast %mul3A_173 : f32 to vector<16xf32>
        %sub3A_217 = arith.subf %get3A_147, %sub3A_216 : vector<16xf32>
        %mul3A_218 = vector.broadcast %mul3A_206 : f32 to vector<16xf32>
        %mul3A_219 = arith.mulf %sub3A_217, %mul3A_218 : vector<16xf32>
        %mul3A_220 = arith.mulf %mul3A_219, %get3A_20 : vector<16xf32>
        %add3A_221 = arith.addf %mul3A_220, %get3A_28 : vector<16xf32>
        %swap3A_222 = arith.index_cast %scan3A_141 : i32 to index
        %swap3A_223 = arith.constant 16 : index
        %swap3A_224 = tpu.vector_load %arg8[%swap3A_222, %swap3A_223] {strides = array<i32>} : memref<1024x64xf32, #tpu.memory_space<vmem>>, vector<16xf32>,
        tpu.vector_store %arg8[%swap3A_222, %swap3A_223], %add3A_221 {strides = array<i32>} : memref<1024x64xf32, #tpu.memory_space<vmem>>, vector<16xf32>,
        %sub3A_225 = vector.broadcast %mul3A_173 : f32 to vector<16xf32>
        %sub3A_226 = arith.subf %get3A_150, %sub3A_225 : vector<16xf32>
        %mul3A_227 = vector.broadcast %mul3A_206 : f32 to vector<16xf32>
        %mul3A_228 = arith.mulf %sub3A_226, %mul3A_227 : vector<16xf32>
        %mul3A_229 = arith.mulf %mul3A_228, %get3A_22 : vector<16xf32>
        %add3A_230 = arith.addf %mul3A_229, %get3A_30 : vector<16xf32>
        %swap3A_231 = arith.index_cast %scan3A_141 : i32 to index
        %swap3A_232 = arith.constant 32 : index
        %swap3A_233 = tpu.vector_load %arg8[%swap3A_231, %swap3A_232] {strides = array<i32>} : memref<1024x64xf32, #tpu.memory_space<vmem>>, vector<16xf32>,
        tpu.vector_store %arg8[%swap3A_231, %swap3A_232], %add3A_230 {strides = array<i32>} : memref<1024x64xf32, #tpu.memory_space<vmem>>, vector<16xf32>,
        %sub3A_234 = vector.broadcast %mul3A_173 : f32 to vector<16xf32>
        %sub3A_235 = arith.subf %get3A_153, %sub3A_234 : vector<16xf32>
        %mul3A_236 = vector.broadcast %mul3A_206 : f32 to vector<16xf32>
        %mul3A_237 = arith.mulf %sub3A_235, %mul3A_236 : vector<16xf32>
        %mul3A_238 = arith.mulf %mul3A_237, %get3A_24 : vector<16xf32>
        %add3A_239 = arith.addf %mul3A_238, %get3A_32 : vector<16xf32>
        %swap3A_240 = arith.index_cast %scan3A_141 : i32 to index
        %swap3A_241 = arith.constant 48 : index
        %swap3A_242 = tpu.vector_load %arg8[%swap3A_240, %swap3A_241] {strides = array<i32>} : memref<1024x64xf32, #tpu.memory_space<vmem>>, vector<16xf32>,
        tpu.vector_store %arg8[%swap3A_240, %swap3A_241], %add3A_239 {strides = array<i32>} : memref<1024x64xf32, #tpu.memory_space<vmem>>, vector<16xf32>,
        %scan3A_243 = arith.constant 0 : i32
        %scan3A_244 = arith.constant 2 : i32
        %scan3A_245 = arith.addi %scan3A_41, %scan3A_244 : i32
        %get3A_246 = arith.index_cast %scan3A_245 : i32 to index
        %get3A_247 = arith.constant 0 : index
        %get3A_248 = tpu.vector_load %arg8[%get3A_246, %get3A_247] {strides = array<i32>} : memref<1024x64xf32, #tpu.memory_space<vmem>>, vector<16xf32>,
        %get3A_249 = arith.index_cast %scan3A_245 : i32 to index
        %get3A_250 = arith.constant 16 : index
        %get3A_251 = tpu.vector_load %arg8[%get3A_249, %get3A_250] {strides = array<i32>} : memref<1024x64xf32, #tpu.memory_space<vmem>>, vector<16xf32>,
        %get3A_252 = arith.index_cast %scan3A_245 : i32 to index
        %get3A_253 = arith.constant 32 : index
        %get3A_254 = tpu.vector_load %arg8[%get3A_252, %get3A_253] {strides = array<i32>} : memref<1024x64xf32, #tpu.memory_space<vmem>>, vector<16xf32>,
        %get3A_255 = arith.index_cast %scan3A_245 : i32 to index
        %get3A_256 = arith.constant 48 : index
        %get3A_257 = tpu.vector_load %arg8[%get3A_255, %get3A_256] {strides = array<i32>} : memref<1024x64xf32, #tpu.memory_space<vmem>>, vector<16xf32>,
        %add3A_258 = arith.addf %get3A_248, %get3A_251 : vector<16xf32>
        %add3A_259 = arith.addf %get3A_254, %get3A_257 : vector<16xf32>
        %add3A_260 = arith.addf %add3A_258, %add3A_259 : vector<16xf32>
        %mul3A_261 = arith.mulf %get3A_248, %get3A_248 : vector<16xf32>
        %mul3A_262 = arith.mulf %get3A_251, %get3A_251 : vector<16xf32>
        %add3A_263 = arith.addf %mul3A_261, %mul3A_262 : vector<16xf32>
        %mul3A_264 = arith.mulf %get3A_254, %get3A_254 : vector<16xf32>
        %mul3A_265 = arith.mulf %get3A_257, %get3A_257 : vector<16xf32>
        %add3A_266 = arith.addf %mul3A_264, %mul3A_265 : vector<16xf32>
        %add3A_267 = arith.addf %add3A_263, %add3A_266 : vector<16xf32>
        %reduce_sum3A_268 = arith.constant true
        %reduce_sum3A_269 = vector.broadcast %reduce_sum3A_268 : i1 to vector<16xi1>
        %reduce_sum3A_270 = tpu.scan <sum>, %add3A_260 masked %reduce_sum3A_269 : vector<16xf32>, vector<16xi1> -> vector<16xf32>
        %reduce_sum3A_271 = vector.extract %reduce_sum3A_270[15] : f32 from vector<16xf32>
        %reduce_sum3A_272 = arith.constant true
        %reduce_sum3A_273 = vector.broadcast %reduce_sum3A_272 : i1 to vector<16xi1>
        %reduce_sum3A_274 = tpu.scan <sum>, %add3A_267 masked %reduce_sum3A_273 : vector<16xf32>, vector<16xi1> -> vector<16xf32>
        %reduce_sum3A_275 = vector.extract %reduce_sum3A_274[15] : f32 from vector<16xf32>
        %mul3A_276 = arith.constant 1.562500e-02 : f32
        %mul3A_277 = arith.mulf %reduce_sum3A_271, %mul3A_276 : f32
        %mul3A_278 = arith.constant 1.562500e-02 : f32
        %mul3A_279 = arith.mulf %reduce_sum3A_275, %mul3A_278 : f32
        %mul3A_280 = arith.mulf %mul3A_277, %mul3A_277 : f32
        %sub3A_281 = arith.subf %mul3A_279, %mul3A_280 : f32
        %add3A_282 = arith.constant 9.99999996E-13 : f32
        %add3A_283 = arith.addf %sub3A_281, %add3A_282 : f32
        %bitcast_convert_type3A_284 = arith.bitcast %add3A_283 : f32 to i32
        %shift_right_logical3A_285 = arith.constant 1 : i32
        %shift_right_logical3A_286 = arith.shrui %bitcast_convert_type3A_284, %shift_right_logical3A_285 : i32
        %sub3A_287 = arith.constant 1597463007 : i32
        %sub3A_288 = arith.subi %sub3A_287, %shift_right_logical3A_286 : i32
        %bitcast_convert_type3A_289 = arith.bitcast %sub3A_288 : i32 to f32
        %mul3A_290 = arith.constant 5.000000e-01 : f32
        %mul3A_291 = arith.mulf %mul3A_290, %add3A_283 : f32
        %mul3A_292 = arith.mulf %mul3A_291, %bitcast_convert_type3A_289 : f32
        %mul3A_293 = arith.mulf %mul3A_292, %bitcast_convert_type3A_289 : f32
        %sub3A_294 = arith.constant 1.500000e+00 : f32
        %sub3A_295 = arith.subf %sub3A_294, %mul3A_293 : f32
        %mul3A_296 = arith.mulf %bitcast_convert_type3A_289, %sub3A_295 : f32
        %mul3A_297 = arith.constant 5.000000e-01 : f32
        %mul3A_298 = arith.mulf %mul3A_297, %add3A_283 : f32
        %mul3A_299 = arith.mulf %mul3A_298, %mul3A_296 : f32
        %mul3A_300 = arith.mulf %mul3A_299, %mul3A_296 : f32
        %sub3A_301 = arith.constant 1.500000e+00 : f32
        %sub3A_302 = arith.subf %sub3A_301, %mul3A_300 : f32
        %mul3A_303 = arith.mulf %mul3A_296, %sub3A_302 : f32
        %mul3A_304 = arith.constant 5.000000e-01 : f32
        %mul3A_305 = arith.mulf %mul3A_304, %add3A_283 : f32
        %mul3A_306 = arith.mulf %mul3A_305, %mul3A_303 : f32
        %mul3A_307 = arith.mulf %mul3A_306, %mul3A_303 : f32
        %sub3A_308 = arith.constant 1.500000e+00 : f32
        %sub3A_309 = arith.subf %sub3A_308, %mul3A_307 : f32
        %mul3A_310 = arith.mulf %mul3A_303, %sub3A_309 : f32
        %sub3A_311 = vector.broadcast %mul3A_277 : f32 to vector<16xf32>
        %sub3A_312 = arith.subf %get3A_248, %sub3A_311 : vector<16xf32>
        %mul3A_313 = vector.broadcast %mul3A_310 : f32 to vector<16xf32>
        %mul3A_314 = arith.mulf %sub3A_312, %mul3A_313 : vector<16xf32>
        %mul3A_315 = arith.mulf %mul3A_314, %get3A_18 : vector<16xf32>
        %add3A_316 = arith.addf %mul3A_315, %get3A_26 : vector<16xf32>
        %swap3A_317 = arith.index_cast %scan3A_245 : i32 to index
        %swap3A_318 = arith.constant 0 : index
        %swap3A_319 = tpu.vector_load %arg8[%swap3A_317, %swap3A_318] {strides = array<i32>} : memref<1024x64xf32, #tpu.memory_space<vmem>>, vector<16xf32>,
        tpu.vector_store %arg8[%swap3A_317, %swap3A_318], %add3A_316 {strides = array<i32>} : memref<1024x64xf32, #tpu.memory_space<vmem>>, vector<16xf32>,
        %sub3A_320 = vector.broadcast %mul3A_277 : f32 to vector<16xf32>
        %sub3A_321 = arith.subf %get3A_251, %sub3A_320 : vector<16xf32>
        %mul3A_322 = vector.broadcast %mul3A_310 : f32 to vector<16xf32>
        %mul3A_323 = arith.mulf %sub3A_321, %mul3A_322 : vector<16xf32>
        %mul3A_324 = arith.mulf %mul3A_323, %get3A_20 : vector<16xf32>
        %add3A_325 = arith.addf %mul3A_324, %get3A_28 : vector<16xf32>
        %swap3A_326 = arith.index_cast %scan3A_245 : i32 to index
        %swap3A_327 = arith.constant 16 : index
        %swap3A_328 = tpu.vector_load %arg8[%swap3A_326, %swap3A_327] {strides = array<i32>} : memref<1024x64xf32, #tpu.memory_space<vmem>>, vector<16xf32>,
        tpu.vector_store %arg8[%swap3A_326, %swap3A_327], %add3A_325 {strides = array<i32>} : memref<1024x64xf32, #tpu.memory_space<vmem>>, vector<16xf32>,
        %sub3A_329 = vector.broadcast %mul3A_277 : f32 to vector<16xf32>
        %sub3A_330 = arith.subf %get3A_254, %sub3A_329 : vector<16xf32>
        %mul3A_331 = vector.broadcast %mul3A_310 : f32 to vector<16xf32>
        %mul3A_332 = arith.mulf %sub3A_330, %mul3A_331 : vector<16xf32>
        %mul3A_333 = arith.mulf %mul3A_332, %get3A_22 : vector<16xf32>
        %add3A_334 = arith.addf %mul3A_333, %get3A_30 : vector<16xf32>
        %swap3A_335 = arith.index_cast %scan3A_245 : i32 to index
        %swap3A_336 = arith.constant 32 : index
        %swap3A_337 = tpu.vector_load %arg8[%swap3A_335, %swap3A_336] {strides = array<i32>} : memref<1024x64xf32, #tpu.memory_space<vmem>>, vector<16xf32>,
        tpu.vector_store %arg8[%swap3A_335, %swap3A_336], %add3A_334 {strides = array<i32>} : memref<1024x64xf32, #tpu.memory_space<vmem>>, vector<16xf32>,
        %sub3A_338 = vector.broadcast %mul3A_277 : f32 to vector<16xf32>
        %sub3A_339 = arith.subf %get3A_257, %sub3A_338 : vector<16xf32>
        %mul3A_340 = vector.broadcast %mul3A_310 : f32 to vector<16xf32>
        %mul3A_341 = arith.mulf %sub3A_339, %mul3A_340 : vector<16xf32>
        %mul3A_342 = arith.mulf %mul3A_341, %get3A_24 : vector<16xf32>
        %add3A_343 = arith.addf %mul3A_342, %get3A_32 : vector<16xf32>
        %swap3A_344 = arith.index_cast %scan3A_245 : i32 to index
        %swap3A_345 = arith.constant 48 : index
        %swap3A_346 = tpu.vector_load %arg8[%swap3A_344, %swap3A_345] {strides = array<i32>} : memref<1024x64xf32, #tpu.memory_space<vmem>>, vector<16xf32>,
        tpu.vector_store %arg8[%swap3A_344, %swap3A_345], %add3A_343 {strides = array<i32>} : memref<1024x64xf32, #tpu.memory_space<vmem>>, vector<16xf32>,
        %scan3A_347 = arith.constant 0 : i32
        %scan3A_348 = arith.constant 3 : i32
        %scan3A_349 = arith.addi %scan3A_41, %scan3A_348 : i32
        %get3A_350 = arith.index_cast %scan3A_349 : i32 to index
        %get3A_351 = arith.constant 0 : index
        %get3A_352 = tpu.vector_load %arg8[%get3A_350, %get3A_351] {strides = array<i32>} : memref<1024x64xf32, #tpu.memory_space<vmem>>, vector<16xf32>,
        %get3A_353 = arith.index_cast %scan3A_349 : i32 to index
        %get3A_354 = arith.constant 16 : index
        %get3A_355 = tpu.vector_load %arg8[%get3A_353, %get3A_354] {strides = array<i32>} : memref<1024x64xf32, #tpu.memory_space<vmem>>, vector<16xf32>,
        %get3A_356 = arith.index_cast %scan3A_349 : i32 to index
        %get3A_357 = arith.constant 32 : index
        %get3A_358 = tpu.vector_load %arg8[%get3A_356, %get3A_357] {strides = array<i32>} : memref<1024x64xf32, #tpu.memory_space<vmem>>, vector<16xf32>,
        %get3A_359 = arith.index_cast %scan3A_349 : i32 to index
        %get3A_360 = arith.constant 48 : index
        %get3A_361 = tpu.vector_load %arg8[%get3A_359, %get3A_360] {strides = array<i32>} : memref<1024x64xf32, #tpu.memory_space<vmem>>, vector<16xf32>,
        %add3A_362 = arith.addf %get3A_352, %get3A_355 : vector<16xf32>
        %add3A_363 = arith.addf %get3A_358, %get3A_361 : vector<16xf32>
        %add3A_364 = arith.addf %add3A_362, %add3A_363 : vector<16xf32>
        %mul3A_365 = arith.mulf %get3A_352, %get3A_352 : vector<16xf32>
        %mul3A_366 = arith.mulf %get3A_355, %get3A_355 : vector<16xf32>
        %add3A_367 = arith.addf %mul3A_365, %mul3A_366 : vector<16xf32>
        %mul3A_368 = arith.mulf %get3A_358, %get3A_358 : vector<16xf32>
        %mul3A_369 = arith.mulf %get3A_361, %get3A_361 : vector<16xf32>
        %add3A_370 = arith.addf %mul3A_368, %mul3A_369 : vector<16xf32>
        %add3A_371 = arith.addf %add3A_367, %add3A_370 : vector<16xf32>
        %reduce_sum3A_372 = arith.constant true
        %reduce_sum3A_373 = vector.broadcast %reduce_sum3A_372 : i1 to vector<16xi1>
        %reduce_sum3A_374 = tpu.scan <sum>, %add3A_364 masked %reduce_sum3A_373 : vector<16xf32>, vector<16xi1> -> vector<16xf32>
        %reduce_sum3A_375 = vector.extract %reduce_sum3A_374[15] : f32 from vector<16xf32>
        %reduce_sum3A_376 = arith.constant true
        %reduce_sum3A_377 = vector.broadcast %reduce_sum3A_376 : i1 to vector<16xi1>
        %reduce_sum3A_378 = tpu.scan <sum>, %add3A_371 masked %reduce_sum3A_377 : vector<16xf32>, vector<16xi1> -> vector<16xf32>
        %reduce_sum3A_379 = vector.extract %reduce_sum3A_378[15] : f32 from vector<16xf32>
        %mul3A_380 = arith.constant 1.562500e-02 : f32
        %mul3A_381 = arith.mulf %reduce_sum3A_375, %mul3A_380 : f32
        %mul3A_382 = arith.constant 1.562500e-02 : f32
        %mul3A_383 = arith.mulf %reduce_sum3A_379, %mul3A_382 : f32
        %mul3A_384 = arith.mulf %mul3A_381, %mul3A_381 : f32
        %sub3A_385 = arith.subf %mul3A_383, %mul3A_384 : f32
        %add3A_386 = arith.constant 9.99999996E-13 : f32
        %add3A_387 = arith.addf %sub3A_385, %add3A_386 : f32
        %bitcast_convert_type3A_388 = arith.bitcast %add3A_387 : f32 to i32
        %shift_right_logical3A_389 = arith.constant 1 : i32
        %shift_right_logical3A_390 = arith.shrui %bitcast_convert_type3A_388, %shift_right_logical3A_389 : i32
        %sub3A_391 = arith.constant 1597463007 : i32
        %sub3A_392 = arith.subi %sub3A_391, %shift_right_logical3A_390 : i32
        %bitcast_convert_type3A_393 = arith.bitcast %sub3A_392 : i32 to f32
        %mul3A_394 = arith.constant 5.000000e-01 : f32
        %mul3A_395 = arith.mulf %mul3A_394, %add3A_387 : f32
        %mul3A_396 = arith.mulf %mul3A_395, %bitcast_convert_type3A_393 : f32
        %mul3A_397 = arith.mulf %mul3A_396, %bitcast_convert_type3A_393 : f32
        %sub3A_398 = arith.constant 1.500000e+00 : f32
        %sub3A_399 = arith.subf %sub3A_398, %mul3A_397 : f32
        %mul3A_400 = arith.mulf %bitcast_convert_type3A_393, %sub3A_399 : f32
        %mul3A_401 = arith.constant 5.000000e-01 : f32
        %mul3A_402 = arith.mulf %mul3A_401, %add3A_387 : f32
        %mul3A_403 = arith.mulf %mul3A_402, %mul3A_400 : f32
        %mul3A_404 = arith.mulf %mul3A_403, %mul3A_400 : f32
        %sub3A_405 = arith.constant 1.500000e+00 : f32
        %sub3A_406 = arith.subf %sub3A_405, %mul3A_404 : f32
        %mul3A_407 = arith.mulf %mul3A_400, %sub3A_406 : f32
        %mul3A_408 = arith.constant 5.000000e-01 : f32
        %mul3A_409 = arith.mulf %mul3A_408, %add3A_387 : f32
        %mul3A_410 = arith.mulf %mul3A_409, %mul3A_407 : f32
        %mul3A_411 = arith.mulf %mul3A_410, %mul3A_407 : f32
        %sub3A_412 = arith.constant 1.500000e+00 : f32
        %sub3A_413 = arith.subf %sub3A_412, %mul3A_411 : f32
        %mul3A_414 = arith.mulf %mul3A_407, %sub3A_413 : f32
        %sub3A_415 = vector.broadcast %mul3A_381 : f32 to vector<16xf32>
        %sub3A_416 = arith.subf %get3A_352, %sub3A_415 : vector<16xf32>
        %mul3A_417 = vector.broadcast %mul3A_414 : f32 to vector<16xf32>
        %mul3A_418 = arith.mulf %sub3A_416, %mul3A_417 : vector<16xf32>
        %mul3A_419 = arith.mulf %mul3A_418, %get3A_18 : vector<16xf32>
        %add3A_420 = arith.addf %mul3A_419, %get3A_26 : vector<16xf32>
        %swap3A_421 = arith.index_cast %scan3A_349 : i32 to index
        %swap3A_422 = arith.constant 0 : index
        %swap3A_423 = tpu.vector_load %arg8[%swap3A_421, %swap3A_422] {strides = array<i32>} : memref<1024x64xf32, #tpu.memory_space<vmem>>, vector<16xf32>,
        tpu.vector_store %arg8[%swap3A_421, %swap3A_422], %add3A_420 {strides = array<i32>} : memref<1024x64xf32, #tpu.memory_space<vmem>>, vector<16xf32>,
        %sub3A_424 = vector.broadcast %mul3A_381 : f32 to vector<16xf32>
        %sub3A_425 = arith.subf %get3A_355, %sub3A_424 : vector<16xf32>
        %mul3A_426 = vector.broadcast %mul3A_414 : f32 to vector<16xf32>
        %mul3A_427 = arith.mulf %sub3A_425, %mul3A_426 : vector<16xf32>
        %mul3A_428 = arith.mulf %mul3A_427, %get3A_20 : vector<16xf32>
        %add3A_429 = arith.addf %mul3A_428, %get3A_28 : vector<16xf32>
        %swap3A_430 = arith.index_cast %scan3A_349 : i32 to index
        %swap3A_431 = arith.constant 16 : index
        %swap3A_432 = tpu.vector_load %arg8[%swap3A_430, %swap3A_431] {strides = array<i32>} : memref<1024x64xf32, #tpu.memory_space<vmem>>, vector<16xf32>,
        tpu.vector_store %arg8[%swap3A_430, %swap3A_431], %add3A_429 {strides = array<i32>} : memref<1024x64xf32, #tpu.memory_space<vmem>>, vector<16xf32>,
        %sub3A_433 = vector.broadcast %mul3A_381 : f32 to vector<16xf32>
        %sub3A_434 = arith.subf %get3A_358, %sub3A_433 : vector<16xf32>
        %mul3A_435 = vector.broadcast %mul3A_414 : f32 to vector<16xf32>
        %mul3A_436 = arith.mulf %sub3A_434, %mul3A_435 : vector<16xf32>
        %mul3A_437 = arith.mulf %mul3A_436, %get3A_22 : vector<16xf32>
        %add3A_438 = arith.addf %mul3A_437, %get3A_30 : vector<16xf32>
        %swap3A_439 = arith.index_cast %scan3A_349 : i32 to index
        %swap3A_440 = arith.constant 32 : index
        %swap3A_441 = tpu.vector_load %arg8[%swap3A_439, %swap3A_440] {strides = array<i32>} : memref<1024x64xf32, #tpu.memory_space<vmem>>, vector<16xf32>,
        tpu.vector_store %arg8[%swap3A_439, %swap3A_440], %add3A_438 {strides = array<i32>} : memref<1024x64xf32, #tpu.memory_space<vmem>>, vector<16xf32>,
        %sub3A_442 = vector.broadcast %mul3A_381 : f32 to vector<16xf32>
        %sub3A_443 = arith.subf %get3A_361, %sub3A_442 : vector<16xf32>
        %mul3A_444 = vector.broadcast %mul3A_414 : f32 to vector<16xf32>
        %mul3A_445 = arith.mulf %sub3A_443, %mul3A_444 : vector<16xf32>
        %mul3A_446 = arith.mulf %mul3A_445, %get3A_24 : vector<16xf32>
        %add3A_447 = arith.addf %mul3A_446, %get3A_32 : vector<16xf32>
        %swap3A_448 = arith.index_cast %scan3A_349 : i32 to index
        %swap3A_449 = arith.constant 48 : index
        %swap3A_450 = tpu.vector_load %arg8[%swap3A_448, %swap3A_449] {strides = array<i32>} : memref<1024x64xf32, #tpu.memory_space<vmem>>, vector<16xf32>,
        tpu.vector_store %arg8[%swap3A_448, %swap3A_449], %add3A_447 {strides = array<i32>} : memref<1024x64xf32, #tpu.memory_space<vmem>>, vector<16xf32>,
        %scan3A_451 = arith.constant 0 : i32
        scf.yield %scan3A_451 : i32
      }
      %scan3A_39 = arith.constant 1024 : i32
      "tpu.region"() ({
        %run_scoped3A = tpu.sem_alloc : memref<!tpu.dma_semaphore, #tpu.memory_space<semaphore_mem>>
        %dma_start3A_41 = arith.constant 0 : i32
        %dma_start3A_42 = tpu.memref_slice %arg6[%add3A_13, %dma_start3A_41] : memref<819200x64xf32, #tpu.memory_space<hbm>> -> memref<1024x64xf32, #tpu.memory_space<hbm>>
        %dma_start3A_43 = arith.constant 0 : i32
        %dma_start3A_44 = tpu.memref_slice %arg6[%add3A_13, %dma_start3A_43] : memref<819200x64xf32, #tpu.memory_space<hbm>> -> memref<1024x64xf32, #tpu.memory_space<hbm>>
        tpu.enqueue_dma source(%arg8 : memref<1024x64xf32, #tpu.memory_space<vmem>>) target(%dma_start3A_44 : memref<1024x64xf32, #tpu.memory_space<hbm>>) target_semaphore(%run_scoped3A : memref<!tpu.dma_semaphore, #tpu.memory_space<semaphore_mem>>)
        %dma_wait3A_45 = arith.constant 0 : i32
        %dma_wait3A_46 = tpu.memref_slice %arg6[%add3A_13, %dma_wait3A_45] : memref<819200x64xf32, #tpu.memory_space<hbm>> -> memref<1024x64xf32, #tpu.memory_space<hbm>>
        %dma_wait3A_47 = arith.constant 0 : i32
        %dma_wait3A_48 = tpu.memref_slice %arg6[%add3A_13, %dma_wait3A_47] : memref<819200x64xf32, #tpu.memory_space<hbm>> -> memref<1024x64xf32, #tpu.memory_space<hbm>>
        tpu.wait_dma2 semaphore(%run_scoped3A : memref<!tpu.dma_semaphore, #tpu.memory_space<semaphore_mem>>) src(%arg8 : memref<1024x64xf32, #tpu.memory_space<vmem>>) dst(%dma_wait3A_48 : memref<1024x64xf32, #tpu.memory_space<hbm>>)
        tpu.yield
      }) : () -> ()
      %scan3A_40 = arith.constant 0 : i32
      scf.yield %scan3A_40 : i32
    }
    %scan3A_8 = arith.constant 25 : i32
    return
  }
}

</mosaic_0001>

<sc_bundles>
// kernel: kernel.3.cloned.1.call-start
scs
__scs_entry_jumppad:
0x0: {  	(pc) =	sbr.rel $0x88, $3  }
0x1: {  	(tag) =	ssettag $0x0;
	lr =	simm.s32 $0x1  }
0x2: {  	[smem:$0x3F9D] =	sst lr;
	_ =	strace $0xD0000000  }
0x3: {  	_ = 	snop  }
0x4: {  	_ = 	snop  }
0x5: {  	_ = 	snop  }
0x6: {  	_ = 	snop  }
0x7: {  	_ = 	snop  }
__scs_overlays_trampoline_lowered:
0x8: {  	[smem:$0x3FAC] =	sst s0  }
0x9: {  	[smem:$0x3FAD] =	sst s1  }
0xa: {  	[smem:$0x3FAE] =	sst s2  }
0xb: {  	[smem:$0x3FAF] =	sst s3  }
0xc: {  	[smem:$0x3FB0] =	sst s4  }
0xd: {  	[smem:$0x3FB1] =	sst s5  }
0xe: {  	[smem:$0x3FB2] =	sst s6  }
0xf: {  	[smem:$0x3FB3] =	sst s7  }
0x10: {  	[smem:$0x3FB4] =	sst s8  }
0x11: {  	[smem:$0x3FB5] =	sst s9;
	s0 =	simm.s32 @!p0 $0x0  }
0x12: {  	s1 =	sld [smem:$0x3F9B];
	s0 =	simm.s32 @p0 $0x1  }
0x13: {  	[smem:$0x3FB6] =	sst s0;
	s0 =	simm.s32 @!p1 $0x0  }
0x14: {  	s2 =	sld [smem:$0x3F9A];
	s0 =	simm.s32 @p1 $0x1  }
0x15: {  	[smem:$0x3FB7] =	sst s0;
	s0 =	simm.s32 @!p2 $0x0  }
0x16: {  	s3 =	sld [smem:$0x3FDB];
	s0 =	simm.s32 @p2 $0x1  }
0x17: {  	s4 =	simm.s32 $0x1BF5;
	[smem:$0x3FB9] =	sst s0  }
0x18: {  	s0 =	sld [smem:$0x3F9C];
	_ =	swait.ge [sflag:s4], $0x0  }
0x19: {  	s7 =	sld [smem:$0x3F9D]  }
0x1a: {  	s8 =	sadd.s32 $0xFFFFE003, lr  }
0x1b: {  	s9 =	sadd.s32 $0xFFFFFEF7, lr;
	s5 =	simm.s32 $0xFFFFFFFF;
	p2 =	slt.u32 s8, $0xFFFFF086  }
0x1c: {  	p1 =	slt.u32 s9, $0xF7A;
	s5 =	simm.s32 @!p2 $0x0  }
0x1d: {  	s5 =	simm.s32 @p1 $0x1;
	p0 =	seq.s32 s7, s2  }
0x1e: {  	s7 =	smul.u32 @!p0 $0xF7A, s2;
	p2 =	seq.s32 @!p0 s5, $0x0  }
0x1f: {  	s9 =	smul.u32 $0xF7A, s1;
	s8 =	simm.s32 @!p0 $0x1BF5;
	p2 =	por !p2, p0  }
0x20: {  	[sflag:s8] =	ssyncset.s32 @!p0 $0xFFFFF086;
	s6 =	sadd.s32 @!p0 s3, s7;
	s7 =	simm.s32 @!p0 $0x108  }
0x21: {  	s3 =	sadd.s32 s3, s9;
	s6 =	sadd.s32 @!p0 $0x88, s6;
	s7 =	simm.s32 @p2 $0x1082  }
0x22: {  	[simem:s7], [sflag:s8] =	dma.local @!p0 [hbm:s6], $0xF7A  }
0x23: {  	s9 =	sor.u32 $0xD0000000, s2;
	s6 =	simm.s32 $0x108;
	_ =	swait.ge @!p0 [sflag:s8], $0x0  }
0x24: {  	s3 =	sadd.s32 $0x88, s3;
	s6 =	simm.s32 @!p1 $0x1082;
	[sflag:s4] =	ssyncset.s32 $0xFFFFF086  }
0x25: {  	[simem:s6], [sflag:s4] =	dma.local [hbm:s3], $0xF7A  }
0x26: {  	[smem:$0x3F9D] =	sst s1;
	(tag) =	ssettag s2;
	_ =	strace s9  }
0x27: {  	s1 =	sld [smem:$0x3FAD]  }
0x28: {  	s2 =	sld [smem:$0x3FAE]  }
0x29: {  	s4 =	sld [smem:$0x3FB0]  }
0x2a: {  	p0 =	seq.s32 s5, $0x0;
	s5 =	sld [smem:$0x3FB1]  }
0x2b: {  	s6 =	sld [smem:$0x3FB2]  }
0x2c: {  	s7 =	sld [smem:$0x3FB3]  }
0x2d: {  	s3 =	simm.s32 $0x108;
	s8 =	sld [smem:$0x3FB4]  }
0x2e: {  	s3 =	simm.s32 @!p0 $0x1082;
	s9 =	sld [smem:$0x3FB5]  }
0x2f: {  	lr =	sadd.s32 s0, s3;
	s0 =	sld [smem:$0x3FAC]  }
0x30: {  	s3 =	sld [smem:$0x3FAF]  }
0x31: {  	[smem:$0x3FB8] =	sst s10  }
0x32: {  	s10 =	sld [smem:$0x3FB6];
	_ =	sdelay $0x3  }
0x33: {  	p0 =	seq.s32 s10, $0x1;
	s10 =	sld [smem:$0x3FB8];
	_ =	sdelay $0x3  }
0x34: {  	[smem:$0x3FB8] =	sst s10  }
0x35: {  	s10 =	sld [smem:$0x3FB7];
	_ =	sdelay $0x3  }
0x36: {  	p1 =	seq.s32 s10, $0x1;
	s10 =	sld [smem:$0x3FB8];
	_ =	sdelay $0x3  }
0x37: {  	[smem:$0x3FB8] =	sst s10  }
0x38: {  	s10 =	sld [smem:$0x3FB9]  }
0x39: {  	_ = 	snop;
	(pc) =	sbr.ind lr, $3  }
0x3a: {  	_ = 	snop  }
0x3b: {  	_ = 	snop  }
0x3c: {  	p2 =	seq.s32 s10, $0x1;
	s10 =	sld [smem:$0x3FB8]  }
0x3d: {  	_ =	shalt  }
0x3e: {  	_ =	shalt  }
0x3f: {  	_ =	shalt  }
0x40: {  	_ =	shalt  }
0x41: {  	_ =	shalt  }
0x42: {  	_ =	shalt  }
0x43: {  	_ =	shalt  }
0x44: {  	_ =	shalt  }
0x45: {  	_ =	shalt  }
0x46: {  	_ =	shalt  }
0x47: {  	_ =	shalt  }
0x48: {  	_ =	shalt  }
0x49: {  	_ =	shalt  }
0x4a: {  	_ =	shalt  }
0x4b: {  	_ =	shalt  }
0x4c: {  	_ =	shalt  }
0x4d: {  	_ =	shalt  }
0x4e: {  	_ =	shalt  }
0x4f: {  	_ =	shalt  }
0x50: {  	_ =	shalt  }
0x51: {  	_ =	shalt  }
0x52: {  	_ =	shalt  }
0x53: {  	_ =	shalt  }
0x54: {  	_ =	shalt  }
0x55: {  	_ =	shalt  }
0x56: {  	_ =	shalt  }
0x57: {  	_ =	shalt  }
0x58: {  	_ =	shalt  }
0x59: {  	_ =	shalt  }
0x5a: {  	_ =	shalt  }
0x5b: {  	_ =	shalt  }
0x5c: {  	_ =	shalt  }
0x5d: {  	_ =	shalt  }
0x5e: {  	_ =	shalt  }
0x5f: {  	_ =	shalt  }
0x60: {  	_ =	shalt  }
0x61: {  	_ =	shalt  }
0x62: {  	_ =	shalt  }
0x63: {  	_ =	shalt  }
0x64: {  	_ =	shalt  }
0x65: {  	_ =	shalt  }
0x66: {  	_ =	shalt  }
0x67: {  	_ =	shalt  }
0x68: {  	_ =	shalt  }
0x69: {  	_ =	shalt  }
0x6a: {  	_ =	shalt  }
0x6b: {  	_ =	shalt  }
0x6c: {  	_ =	shalt  }
0x6d: {  	_ =	shalt  }
0x6e: {  	_ =	shalt  }
0x6f: {  	_ =	shalt  }
0x70: {  	_ =	shalt  }
0x71: {  	_ =	shalt  }
0x72: {  	_ =	shalt  }
0x73: {  	_ =	shalt  }
0x74: {  	_ =	shalt  }
0x75: {  	_ =	shalt  }
0x76: {  	_ =	shalt  }
0x77: {  	_ =	shalt  }
0x78: {  	_ =	shalt  }
0x79: {  	_ =	shalt  }
0x7a: {  	_ =	shalt  }
0x7b: {  	_ =	shalt  }
0x7c: {  	_ =	shalt  }
0x7d: {  	_ =	shalt  }
0x7e: {  	_ =	shalt  }
0x7f: {  	_ =	shalt  }
0x80: {  	_ =	shalt  }
0x81: {  	_ =	shalt  }
0x82: {  	_ =	shalt  }
0x83: {  	_ =	shalt  }
0x84: {  	_ =	shalt  }
0x85: {  	_ =	shalt  }
0x86: {  	_ =	shalt  }
0x87: {  	_ =	shalt  }
.Lfunc_end0:
.L_simem_size_0:
called_computation.1_lowered:
.L_overlay_start_0:
0x88: {  	s2 =	sld [smem:$0x3FD9]  }
0x89: {  	s3 =	sld [smem:$0x3FFE];
	_ =	sdelay $0x1  }
0x8a: {  	s1 =	srdreg.scid  }
0x8b: {  	s0 =	sand.u32 $0x1, s1  }
0x8c: {  	s17 =	sshll.u32 s0, $0xA;
	s2 =	sadd.s32 s3, s2  }
0x8d: {  	s2 =	sadd.s32 s2, s17  }
0x8e: {  	[smem:$0x3FC4] =	sst s2  }
0x8f: {  	_ = 	snop  }
0x90: {  	s2 =	sld [smem:$0x3FC7]  }
0x91: {  	s18 =	sld [smem:$0x3FC6]  }
0x92: {  	s4 =	sld [smem:$0x3FD0];
	(tm) =	ssettm $0x1  }
0x93: {  	s5 =	sld [smem:$0x3FFB];
	_ =	sdelay $0x3  }
0x94: {  	_ =	strace s5  }
0x95: {  	s5 =	sld [smem:$0x3FFC];
	_ =	sdelay $0x3  }
0x96: {  	_ =	strace s5  }
0x97: {  	s5 =	sld [smem:$0x3FFD];
	_ =	sdelay $0x3  }
0x98: {  	_ =	strace s5  }
0x99: {  	_ =	strace $0x8FFFFFFF  }
0x9a: {  	s19 =	sld [smem:$0x3FDB];
	_ =	sdelay $0x1  }
0x9b: {  	s6 =	simm.s32 $_scs_section_size  }
0x9c: {  	s7 =	simm.s32 $_size__tile_overlayer_lowered;
	s8 =	simm.s32 $_tile_overlayer_lowered  }
0x9d: {  	s22 =	simm.s32 $0x1BFF;
	s21 =	sshll.u32 s8, $0x1;
	s5 =	sadd.s32 s6, s19  }
0x9e: {  	s9 =	simm.s32 $0x0;
	s20 =	sshll.u32 s7, $0x1;
	s7 =	sadd.s32 s21, s5  }
0x9f: {  	[timem:s9], [sflag:s22] =	dma.local [hbm:s7], s20  }
0xa0: {  	_ =	swait.ge [sflag:s22], s20  }
0xa1: {  	s6 =	ssub.s32 $0x0, s20;
	[sflag:s22] =	ssyncset.done $0x0  }
0xa2: {  	[sflag:s22] =	ssyncadd.s32 s6;
	_ =	sdelay $0x1  }
0xa3: {  	s23 =	simm.s32 $0x1B8B  }
0xa4: {  	_ =	swait.ge [sflag:s23], $0x1  }
0xa5: {  	[sflag:s23] =	ssyncset.done $0x0  }
0xa6: {  	s25 =	simm.s32 $0x1B8E;
	s24 =	sld [smem:$0x3FFE];
	[sflag:s23] =	ssyncadd.s32 $0xFFFFFFFF  }
0xa7: {  	s26 =	simm.s32 $execute0_lowered;
	[smem:$0x3FD2] =	sst s25  }
0xa8: {  	s7 =	sshll.u32 s26, $0x1;
	_ =	strace $0x80000046;
	[dreg:$0x1] =	wrdreg $0xFFFFFFFF  }
0xa9: {  	s28 =	simm.s32 $_size_execute0_lowered;
	s5 =	sadd.s32 s5, s7;
	[dreg:$0x0] =	wrdreg $0x0  }
0xaa: {  	s7 =	sshll.u32 s28, $0x1;
	[dreg:$0x2] =	wrdreg s5  }
0xab: {  	[dreg:$0x3] =	wrdreg s7  }
0xac: {  	[dreg:$0x4] =	wrdreg $0xC0  }
0xad: {  	_ =	task [dreg:s9], $0x5FFFF  }
0xae: {  	[dreg:$0x1] =	wrdreg $0xFFFFFFFF  }
0xaf: {  	[dreg:$0x0] =	wrdreg $0x60  }
0xb0: {  	[dreg:$0x2] =	wrdreg s24  }
0xb1: {  	[dreg:$0x3] =	wrdreg s2  }
0xb2: {  	[dreg:$0x4] =	wrdreg s18  }
0xb3: {  	[dreg:$0x5] =	wrdreg s4  }
0xb4: {  	[dreg:$0x6] =	wrdreg $0x9  }
0xb5: {  	_ =	task.clear_ibuf [dreg:s9], $0x7FFFF;
	_ =	strace $0x90000046  }
0xb6: {  	s29 =	simm.s32 $0x9;
	_ =	strace $0x80000048  }
0xb7: {  	_ =	swait.ge [sflag:s29], $0x1  }
0xb8: {  	[sflag:s29] =	ssyncadd.s32 $0xFFFFFFFF  }
0xb9: {  	_ =	strace $0x90000048  }
0xba: {  	_ =	sfence  }
0xbb: {  	s30 =	sld [smem:$0x0];
	_ =	sdelay $0x2  }
0xbc: {  	s31 =	sshll.u32 s1, $0xD;
	s1 =	sshrl.u32 s1, $0x2  }
0xbd: {  	s3 =	sand.u32 $0x4000, s31;
	s1 =	sadd.s32 s1, s30  }
0xbe: {  	s0 =	sor.u32 s3, s0;
	s1 =	sshll.u32 s1, $0x11  }
0xbf: {  	s0 =	sor.u32 s1, s0  }
0xc0: {  	s0 =	sadd.s32 $0x8F2B, s0  }
0xc1: {  	[sflag:s0] =	ssyncadd.remote.s32 $0x1  }
0xc2: {  	_ =	sfence.sel $0xFFFF  }
0xc3: {  	[dreg:$0x0] =	wrdreg $0xFFFFFFFF;
	(pc) =	sbr.abs _section_cstart, $3  }
0xc4: {  	[dreg:$0x1] =	wrdreg $0xFFFFFFFF  }
0xc5: {  	_ =	task.clear_ibuf [dreg:s9], $0x2FFFF;
	_ =	strace $0x9FFFFFFF  }
0xc6: {  	(tm) =	ssettm $0x7FFFFFFF  }
0xc7: {  	_ =	shalt  }
tec
execute0_lowered:
.L_overlay_start_1:
0x0: {  	(tag) =	ssettag $0x1  }
0x1: {  	s7 =	rddreg [dreg:$0x0]  }
0x2: {  	s1 =	rddreg [dreg:$0x1]  }
0x3: {  	s2 =	rddreg [dreg:$0x2]  }
0x4: {  	s3 =	rddreg [dreg:$0x3]  }
0x5: {  	s4 =	srdreg.scid;
	s5 =	simm.s32 $0x0;
	s12 =	simm.s32 $0x10440  }
0x6: {  	s13 =	simm.s32 $0x400;
	s14 =	simm.s32 $0x1;
	s15 =	simm.s32 $0x0  }
0x7: {  	s8 =	sand.u32 $0x1, s4;
	[smem:$0x7FF] =	sst s5;
	s4 =	stileid.u32  }
0x8: {  	s6 =	sadd.s32 $0xA00, s7;
	s7 =	sadd.s32 $0xF42E00, s7;
	s9 =	ssub.s32 $0x2, s8  }
0x9: {  	_ =	strace $0x80000047;
	s11 =	sshll.u32 s4, $0x1;
	s10 =	sshrl.u32 s9, $0x1  }
0xa: {  	s8 =	sor.u32 s8, s11;
	s11 =	simm.s32 $0x2;
	s9 =	ssub.s32 s9, s10  }
0xb: {  	s8 =	smul.u32 $0x6400, s8;
	s10 =	simm.s32 $0x10400;
	s9 =	smax.u32 s9, $0x1  }
.LBB2_1:
0xc: {  	[tilespmem:s10], [sflag:$0x2] =	stream.linear.gather [hbm4b:s1+s5], $0x40, $0x38;
	[tilespmem:$0x10480] =	vst v63  }
0xd: {  	_ =	swait.ge [sflag:s11], $0x40  }
0xe: {  	[sflag:s11] =	ssyncset.done $0x0  }
0xf: {  	[sflag:s11] =	ssyncadd.s32 $0xFFFFFFC0  }
0x10: {  	[tilespmem:s12], [sflag:$0x2] =	stream.linear.gather [hbm4b:s2+s5], $0x40, $0x38;
	[tilespmem:$0x10480] =	vst v63  }
0x11: {  	_ =	swait.ge [sflag:s11], $0x40  }
0x12: {  	[sflag:s11] =	ssyncset.done $0x0  }
0x13: {  	s16 =	simm.s32 $0x0;
	[sflag:s11] =	ssyncadd.s32 $0xFFFFFFC0  }
.LBB2_2:
0x14: {  	s17 =	sshll.u32 s16, $0xA  }
0x15: {  	s17 =	sadd.s32 s8, s17  }
0x16: {  	s18 =	sshrl.u32 s17, $0x3  }
0x17: {  	s18 =	sadd.s32 s6, s18  }
0x18: {  	[tilespmem:s5], [sflag:$0x2] =	stream.linear.gather [hbm4b:s18+s5], $0x400, $0x38;
	[tilespmem:$0x10480] =	vst v63  }
0x19: {  	_ =	swait.ge [sflag:s11], $0x400  }
0x1a: {  	[sflag:s11] =	ssyncset.done $0x0  }
0x1b: {  	[sflag:s11] =	ssyncadd.s32 $0xFFFFFC00  }
0x1c: {  	[tilespmem:s13], [sflag:$0x1] =	stream.indirect.gather [hbm4b:s7+s13], $0x40, s5, s13, $0xb8;
	[tilespmem:$0x10480] =	vst v63  }
0x1d: {  	_ =	swait.ge [sflag:s14], $0x10000  }
0x1e: {  	[sflag:s14] =	ssyncset.done $0x0  }
0x1f: {  	s18 =	simm.s32 $0x480;
	[sflag:s14] =	ssyncadd.s32 $0xFFFF0000  }
0x20: {  	v0 =	vld [tilespmem:s18+$0x40]  }
0x21: {  	v7 =	vld [tilespmem:s18+$0x60]  }
0x22: {  	v2 =	vld [tilespmem:s18+$0x70]  }
0x23: {  	v5 =	vld [tilespmem:s18+$0x50];
	_ =	sdelay $0x1  }
0x24: {  	v1 =	vld [tilespmem:s18+$0x10]  }
0x25: {  	v3 =	vld [tilespmem:s18+$0x30]  }
0x26: {  	v6 =	vld [tilespmem:s18+$0x0];
	v8 =	vmul.f32 v7, v7;
	v9 =	vmul.f32 v2, v2  }
0x27: {  	v4 =	vld [tilespmem:s18+$0x20];
	v10 =	vmul.f32 v0, v0;
	v11 =	vmul.f32 v5, v5;
	_ =	sdelay $0x1  }
0x28: {  	v8 =	vadd.f32 v9, v8;
	v9 =	vadd.f32 v11, v10  }
0x29: {  	v10 =	vadd.f32 v2, v7  }
0x2a: {  	v12 =	vmul.f32 v6, v6;
	v11 =	vadd.f32 v5, v0;
	v8 =	vadd.f32 v8, v9  }
0x2b: {  	v13 =	vadd.f32 v1, v6;
	v14 =	vmul.f32 v4, v4;
	v9 =	vmul.f32 v3, v3  }
0x2c: {  	v10 =	vadd.f32 v10, v11;
	v11 =	vmul.f32 v1, v1;
	(xrf2) =	vadd.scan.msk.f32 $0xffff, v8;
	v8 =	vadd.f32 v3, v4  }
0x2d: {  	v9 =	vadd.f32 v9, v14  }
0x2e: {  	(xrf2) =	vadd.scan.msk.f32 $0xffff, v10;
	v10 =	vadd.f32 v11, v12;
	v8 =	vadd.f32 v8, v13  }
0x2f: {  	v21 =	vld [tilespmem:s18+$0xFFFFFFD0]  }
0x30: {  	v11 =	vld [tilespmem:s18+$0xFFFFFFB0];
	v9 =	vadd.f32 v9, v10;
	(xrf2) =	vadd.scan.msk.f32 $0xffff, v8  }
0x31: {  	v12 =	vld [tilespmem:s18+$0xFFFFFF90]  }
0x32: {  	v10 =	vld [tilespmem:s18+$0xFFFFFFA0];
	(xrf2) =	vadd.scan.msk.f32 $0xffff, v9  }
0x33: {  	v9 =	vld [tilespmem:s18+$0xFFFFFF80]  }
0x34: {  	v22 =	vld [tilespmem:s18+$0xFFFFFFC0];
	_ =	sdelay $0x1  }
0x35: {  	v23 =	vld [tilespmem:s18+$0xFFFFFFE0]  }
0x36: {  	v8 =	vld [tilespmem:s18+$0xFFFFFFF0];
	v15 =	vadd.f32 v11, v10;
	v13, _, _ =	vpop (xrf2)  }
0x37: {  	v14 =	vadd.f32 v12, v9;
	(v2sf) =	vpush v13, $0xF;
	v13, _, _ =	vpop (xrf2)  }
0x38: {  	v19 =	vadd.f32 v21, v22;
	(v2sf) =	vpush v13, $0xF  }
0x39: {  	v18 =	vmul.f32 v12, v12;
	v13 =	vmul.f32 v9, v9;
	v14 =	vadd.f32 v15, v14;
	v16, _, _ =	vpop (xrf2)  }
0x3a: {  	v17 =	vmul.f32 v10, v10;
	(v2sf) =	vpush v16, $0xF;
	v16 =	vmul.f32 v11, v11  }
0x3b: {  	v20 =	vmul.f32 v8, v8;
	v24 =	vadd.f32 v8, v23;
	v13 =	vadd.f32 v18, v13;
	(xrf2) =	vadd.scan.msk.f32 $0xffff, v14;
	v15, _, _ =	vpop (xrf2)  }
0x3c: {  	v18 =	vmul.f32 v23, v23;
	(v2sf) =	vpush v15, $0xF;
	v16 =	vadd.f32 v16, v17  }
0x3d: {  	v15 =	vmul.f32 v21, v21;
	v17 =	vmul.f32 v22, v22  }
0x3e: {  	v19 =	vadd.f32 v24, v19;
	v13 =	vadd.f32 v16, v13  }
0x3f: {  	v14 =	vadd.f32 v15, v17;
	v15 =	vadd.f32 v20, v18  }
0x40: {  	(xrf2) =	vadd.scan.msk.f32 $0xffff, v19  }
0x41: {  	(xrf2) =	vadd.scan.msk.f32 $0xffff, v13;
	v13 =	vadd.f32 v15, v14;
	_ =	sdelay $0x2  }
0x42: {  	(xrf2) =	vadd.scan.msk.f32 $0xffff, v13  }
0x43: {  	v13, _, _ =	vpop (xrf2)  }
0x44: {  	s19 =	spop (v2sf);
	(v2sf) =	vpush v13, $0xF  }
0x45: {  	s20 =	spop (v2sf)  }
0x46: {  	s20 =	smul.f32 $1.562500000e-02, s20  }
0x47: {  	s19 =	smul.f32 $1.562500000e-02, s19  }
0x48: {  	s21 =	smul.f32 s20, s20;
	s22 =	spop (v2sf)  }
0x49: {  	v13, _, _ =	vpop (xrf2);
	s22 =	smul.f32 $1.562500000e-02, s22;
	s31 =	spop (v2sf)  }
0x4a: {  	v14, _, _ =	vpop (xrf2);
	s19 =	ssub.f32 s19, s21;
	s21 =	smul.f32 $1.562500000e-02, s31  }
0x4b: {  	(v2sf) =	vpush v14, $0xF;
	s23 =	smul.f32 s22, s22  }
0x4c: {  	(v2sf) =	vpush v13, $0xF;
	v13, _, _ =	vpop (xrf2);
	s19 =	sadd.f32 $9.999999960e-13, s19  }
0x4d: {  	(v2sf) =	vpush v13, $0xF;
	s21 =	ssub.f32 s21, s23  }
0x4e: {  	s24 =	sshrl.u32 s19, $0x1;
	s19 =	smul.f32 $5.000000000e-01, s19  }
0x4f: {  	s0 =	ssub.s32 $0x5F3759DF, s24;
	s21 =	sadd.f32 $9.999999960e-13, s21  }
0x50: {  	s24 =	smul.f32 s0, s19  }
0x51: {  	s25 =	sshrl.u32 s21, $0x1;
	s21 =	smul.f32 $5.000000000e-01, s21  }
0x52: {  	s24 =	smul.f32 s0, s24;
	s25 =	ssub.s32 $0x5F3759DF, s25  }
0x53: {  	s26 =	smul.f32 s25, s21;
	s28 =	spop (v2sf)  }
0x54: {  	s24 =	ssub.f32 $1.500000000e+00, s24;
	s28 =	smul.f32 $1.562500000e-02, s28  }
0x55: {  	s30 =	smul.f32 s25, s26  }
0x56: {  	s24 =	smul.f32 s0, s24  }
0x57: {  	s23 =	ssub.f32 $1.500000000e+00, s30;
	s30 =	smul.f32 s28, s28  }
0x58: {  	s31 =	smul.f32 s24, s19  }
0x59: {  	s23 =	smul.f32 s25, s23  }
0x5a: {  	s29 =	spop (v2sf);
	s26 =	smul.f32 s31, s24  }
0x5b: {  	s0 =	spop (v2sf);
	s29 =	smul.f32 $1.562500000e-02, s29  }
0x5c: {  	s25 =	smul.f32 $1.562500000e-02, s0;
	s31 =	spop (v2sf)  }
0x5d: {  	s26 =	ssub.f32 $1.500000000e+00, s26;
	s31 =	smul.f32 $1.562500000e-02, s31  }
0x5e: {  	s29 =	ssub.f32 s29, s30;
	s30 =	smul.f32 s25, s25  }
0x5f: {  	s26 =	smul.f32 s26, s24  }
0x60: {  	s0 =	smul.f32 s23, s21;
	s24 =	sadd.f32 $9.999999960e-13, s29  }
0x61: {  	v13 =	vmov s20;
	s31 =	ssub.f32 s31, s30;
	s19 =	smul.f32 s26, s19  }
0x62: {  	v63 =	vsub.f32 v0, v13;
	v7 =	vsub.f32 v7, v13;
	s29 =	sshrl.u32 s24, $0x1;
	s24 =	smul.f32 $5.000000000e-01, s24  }
0x63: {  	v0 =	vld [tilespmem:$0x10400];
	v25 =	vsub.f32 v5, v13;
	v26 =	vsub.f32 v2, v13;
	v5 =	vmov s22;
	s30 =	ssub.s32 $0x5F3759DF, s29;
	s20 =	sadd.f32 $9.999999960e-13, s31;
	s19 =	smul.f32 s19, s26  }
0x64: {  	v2 =	vld [tilespmem:$0x10410];
	v15 =	vsub.f32 v6, v5;
	v19 =	vsub.f32 v1, v5;
	s29 =	smul.f32 s30, s24  }
0x65: {  	v1 =	vld [tilespmem:$0x10420];
	v17 =	vsub.f32 v3, v5;
	v18 =	vsub.f32 v4, v5;
	v5 =	vmov s28;
	s22 =	smul.f32 $5.000000000e-01, s20;
	s19 =	ssub.f32 $1.500000000e+00, s19  }
0x66: {  	v3 =	vld [tilespmem:$0x10430];
	v16 =	vsub.f32 v9, v5;
	v20 =	vsub.f32 v10, v5;
	s20 =	sshrl.u32 s20, $0x1;
	s28 =	smul.f32 s30, s29  }
0x67: {  	v4 =	vld [tilespmem:$0x10440];
	v13 =	vsub.f32 v12, v5;
	v14 =	vsub.f32 v11, v5;
	v9 =	vmov s25;
	s25 =	ssub.s32 $0x5F3759DF, s20;
	s19 =	smul.f32 s19, s26  }
0x68: {  	v6 =	vld [tilespmem:$0x10450];
	v10 =	vsub.f32 v22, v9;
	v12 =	vsub.f32 v21, v9;
	s29 =	smul.f32 s25, s22;
	s31 =	ssub.f32 $1.500000000e+00, s28  }
0x69: {  	v11 =	vsub.f32 v23, v9;
	s28 =	smul.f32 s0, s23;
	v22 =	vmul.f32 s19, v63;
	v21 =	vmul.f32 s19, v7;
	v7 =	vld [tilespmem:$0x10470]  }
0x6a: {  	v5 =	vld [tilespmem:$0x10460];
	v9 =	vsub.f32 v8, v9;
	s20 =	simm.s32 $0x0;
	s26 =	smul.f32 s30, s31;
	v8 =	vmul.f32 s19, v25;
	v23 =	vmul.f32 s19, v26;
	s19 =	simm.s32 $0x480  }
.LBB2_3:
0x6b: {  	s20 =	sadd.s32 $0x4, s20;
	s0 =	smul.f32 s25, s29;
	s18 =	sadd.s32 $0x100, s18  }
0x6c: {  	s28 =	ssub.f32 $1.500000000e+00, s28;
	p0 =	slt.u32 s20, $0x3FC;
	s29 =	smul.f32 s26, s24;
	v8 =	vmul.f32 v8, v2;
	v23 =	vmul.f32 v23, v3  }
0x6d: {  	s0 =	ssub.f32 $1.500000000e+00, s0  }
0x6e: {  	s29 =	smul.f32 s29, s26;
	v8 =	vadd.f32 v8, v6;
	v23 =	vadd.f32 v23, v7  }
0x6f: {  	s23 =	smul.f32 s28, s23  }
0x70: {  	s28 =	ssub.f32 $1.500000000e+00, s29;
	[tilespmem:s19+$0x70] =	vst v23  }
0x71: {  	s21 =	smul.f32 s23, s21;
	[tilespmem:s19+$0x50] =	vst v8  }
0x72: {  	s26 =	smul.f32 s28, s26  }
0x73: {  	s21 =	smul.f32 s21, s23  }
0x74: {  	v8 =	vmul.f32 v22, v0;
	s24 =	smul.f32 s26, s24  }
0x75: {  	v21 =	vmul.f32 v21, v1;
	s0 =	smul.f32 s25, s0;
	s21 =	ssub.f32 $1.500000000e+00, s21  }
0x76: {  	v22 =	vadd.f32 v8, v4  }
0x77: {  	v23 =	vadd.f32 v21, v5;
	s21 =	smul.f32 s21, s23  }
0x78: {  	s23 =	smul.f32 s0, s22;
	v8 =	vld [tilespmem:s18+$0xFFFFFFF0];
	[tilespmem:s19+$0x40] =	vst v22  }
0x79: {  	s24 =	smul.f32 s24, s26;
	v19 =	vmul.f32 s21, v19;
	v22 =	vmul.f32 s21, v15;
	v21 =	vld [tilespmem:s18+$0x40];
	[tilespmem:s19+$0x60] =	vst v23  }
0x7a: {  	s23 =	smul.f32 s23, s0;
	v24 =	vmul.f32 s21, v17;
	v23 =	vmul.f32 s21, v18;
	v15 =	vld [tilespmem:s18+$0x60]  }
0x7b: {  	s21 =	ssub.f32 $1.500000000e+00, s24;
	v19 =	vmul.f32 v19, v2;
	v22 =	vmul.f32 v22, v0;
	v17 =	vld [tilespmem:s18+$0x70]  }
0x7c: {  	s23 =	ssub.f32 $1.500000000e+00, s23;
	v24 =	vmul.f32 v24, v3;
	v23 =	vmul.f32 v23, v1;
	v18 =	vld [tilespmem:s18+$0x50]  }
0x7d: {  	s21 =	smul.f32 s21, s26;
	v19 =	vadd.f32 v19, v6;
	v22 =	vadd.f32 v22, v4  }
0x7e: {  	s0 =	smul.f32 s23, s0;
	v24 =	vadd.f32 v24, v7;
	v23 =	vadd.f32 v23, v5  }
0x7f: {  	v20 =	vmul.f32 s21, v20;
	v25 =	vmul.f32 v15, v15;
	[tilespmem:s19+$0x10] =	vst v19  }
0x80: {  	v28 =	vmul.f32 s21, v16;
	s22 =	smul.f32 s0, s22;
	v19 =	vld [tilespmem:s18+$0x10];
	v26 =	vadd.f32 v17, v15;
	v27 =	vmul.f32 v17, v17;
	[tilespmem:s19+$0x30] =	vst v24  }
0x81: {  	v29 =	vmul.f32 v21, v21;
	v30 =	vmul.f32 v20, v1;
	v16 =	vld [tilespmem:s18+$0x30];
	v24 =	vadd.f32 v18, v21;
	[tilespmem:s19+$0x20] =	vst v23  }
0x82: {  	s22 =	smul.f32 s22, s0;
	v23 =	vmul.f32 v18, v18;
	v20 =	vld [tilespmem:s18+$0x20];
	v25 =	vadd.f32 v27, v25;
	v27 =	vmul.f32 v28, v0;
	[tilespmem:s19+$0x0] =	vst v22  }
0x83: {  	v13 =	vmul.f32 s21, v13;
	v14 =	vmul.f32 s21, v14;
	v28 =	vadd.f32 v30, v5;
	v22 =	vld [tilespmem:s18+$0x0]  }
0x84: {  	s21 =	ssub.f32 $1.500000000e+00, s22;
	v27 =	vadd.f32 v27, v4  }
0x85: {  	v13 =	vmul.f32 v13, v2;
	v30 =	vmul.f32 v8, v8;
	v23 =	vadd.f32 v23, v29;
	[tilespmem:s19+$0xFFFFFFA0] =	vst v28  }
0x86: {  	v14 =	vmul.f32 v14, v3;
	v24 =	vadd.f32 v26, v24;
	s0 =	smul.f32 s21, s0;
	v28 =	vmul.f32 v16, v16;
	[tilespmem:s19+$0xFFFFFF80] =	vst v27  }
0x87: {  	v23 =	vadd.f32 v25, v23;
	v27 =	vmul.f32 v19, v19;
	v26 =	vadd.f32 v16, v20  }
0x88: {  	v14 =	vadd.f32 v14, v7;
	v29 =	vmul.f32 s0, v12;
	v25 =	vmul.f32 v22, v22  }
0x89: {  	v32 =	vmul.f32 s0, v11;
	v31 =	vadd.f32 v19, v22;
	v12 =	vld [tilespmem:s18+$0xFFFFFFA0];
	(xrf2) =	vadd.scan.msk.f32 $0xffff, v23;
	v23 =	vmul.f32 s0, v10  }
0x8a: {  	v11 =	vmul.f32 v20, v20;
	v25 =	vadd.f32 v27, v25;
	[tilespmem:s19+$0xFFFFFFB0] =	vst v14;
	v14 =	vmul.f32 v29, v2  }
0x8b: {  	v13 =	vadd.f32 v13, v6;
	v26 =	vadd.f32 v26, v31;
	v10 =	vld [tilespmem:s18+$0xFFFFFF80];
	v23 =	vmul.f32 v23, v0  }
0x8c: {  	v9 =	vmul.f32 s0, v9;
	v27 =	vadd.f32 v28, v11;
	(xrf2) =	vadd.scan.msk.f32 $0xffff, v24;
	v14 =	vadd.f32 v14, v6  }
0x8d: {  	v24 =	vmul.f32 v32, v1;
	v11 =	vld [tilespmem:s18+$0xFFFFFFB0];
	[tilespmem:s19+$0xFFFFFF90] =	vst v13;
	v23 =	vadd.f32 v23, v4  }
0x8e: {  	v25 =	vadd.f32 v27, v25;
	v13 =	vld [tilespmem:s18+$0xFFFFFF90];
	[tilespmem:s19+$0xFFFFFFD0] =	vst v14;
	v14 =	vmul.f32 v9, v3  }
0x8f: {  	v24 =	vadd.f32 v24, v5;
	v9 =	vld [tilespmem:s18+$0xFFFFFFD0];
	(xrf2) =	vadd.scan.msk.f32 $0xffff, v26;
	[tilespmem:s19+$0xFFFFFFC0] =	vst v23  }
0x90: {  	v26 =	vmul.f32 v10, v10;
	v23 =	vld [tilespmem:s18+$0xFFFFFFC0];
	v14 =	vadd.f32 v14, v7  }
0x91: {  	[tilespmem:s19+$0xFFFFFFE0] =	vst v24  }
0x92: {  	v27 =	vmul.f32 v12, v12;
	(xrf2) =	vadd.scan.msk.f32 $0xffff, v25;
	[tilespmem:s19+$0xFFFFFFF0] =	vst v14;
	s19 =	smov.u32 s18  }
0x93: {  	v14 =	vmul.f32 v13, v13;
	v24 =	vld [tilespmem:s18+$0xFFFFFFE0];
	v25, _, _ =	vpop (xrf2)  }
0x94: {  	v34 =	vadd.f32 v11, v12;
	v31 =	vmul.f32 v11, v11;
	v28 =	vadd.f32 v13, v10  }
0x95: {  	v33 =	vmul.f32 v9, v9;
	v32 =	vadd.f32 v9, v23;
	(v2sf) =	vpush v25, $0xF  }
0x96: {  	v27 =	vadd.f32 v31, v27;
	v25 =	vadd.f32 v34, v28;
	v28 =	vmul.f32 v23, v23;
	v29, _, _ =	vpop (xrf2)  }
0x97: {  	(v2sf) =	vpush v29, $0xF  }
0x98: {  	v14 =	vadd.f32 v14, v26;
	v26 =	vadd.f32 v8, v24;
	v29 =	vmul.f32 v24, v24  }
0x99: {  	v28 =	vadd.f32 v33, v28;
	v31, _, _ =	vpop (xrf2)  }
0x9a: {  	v14 =	vadd.f32 v27, v14;
	v26 =	vadd.f32 v26, v32;
	(xrf2) =	vadd.scan.msk.f32 $0xffff, v25  }
0x9b: {  	v25 =	vadd.f32 v30, v29;
	(v2sf) =	vpush v31, $0xF  }
0x9c: {  	v27, _, _ =	vpop (xrf2)  }
0x9d: {  	v25 =	vadd.f32 v25, v28;
	(xrf2) =	vadd.scan.msk.f32 $0xffff, v26;
	(v2sf) =	vpush v27, $0xF;
	_ =	sdelay $0x2  }
0x9e: {  	(xrf2) =	vadd.scan.msk.f32 $0xffff, v14;
	_ =	sdelay $0x3  }
0x9f: {  	v14, _, _ =	vpop (xrf2);
	(xrf2) =	vadd.scan.msk.f32 $0xffff, v25;
	s0 =	spop (v2sf);
	_ =	sdelay $0x1  }
0xa0: {  	s21 =	spop (v2sf)  }
0xa1: {  	s21 =	smul.f32 $1.562500000e-02, s21;
	v25, _, _ =	vpop (xrf2)  }
0xa2: {  	s0 =	smul.f32 $1.562500000e-02, s0  }
0xa3: {  	s22 =	smul.f32 s21, s21;
	v26 =	vmov s21  }
0xa4: {  	v21 =	vsub.f32 v21, v26;
	(v2sf) =	vpush v14, $0xF;
	v14, _, _ =	vpop (xrf2);
	s21 =	spop (v2sf)  }
0xa5: {  	v27 =	vsub.f32 v15, v26;
	s21 =	smul.f32 $1.562500000e-02, s21;
	s0 =	ssub.f32 s0, s22;
	(v2sf) =	vpush v14, $0xF  }
0xa6: {  	v28 =	vsub.f32 v18, v26;
	v26 =	vsub.f32 v17, v26;
	s22 =	spop (v2sf)  }
0xa7: {  	s23 =	smul.f32 s21, s21;
	v14 =	vmov s21;
	s0 =	sadd.f32 $9.999999960e-13, s0  }
0xa8: {  	s21 =	smul.f32 $1.562500000e-02, s22;
	v15 =	vsub.f32 v22, v14;
	(v2sf) =	vpush v25, $0xF;
	v22, _, _ =	vpop (xrf2)  }
0xa9: {  	v19 =	vsub.f32 v19, v14;
	v17 =	vsub.f32 v16, v14;
	s24 =	sshrl.u32 s0, $0x1;
	s22 =	smul.f32 $5.000000000e-01, s0  }
0xaa: {  	v18 =	vsub.f32 v20, v14;
	s0 =	ssub.f32 s21, s23;
	s23 =	ssub.s32 $0x5F3759DF, s24;
	(v2sf) =	vpush v22, $0xF  }
0xab: {  	s21 =	smul.f32 s23, s22  }
0xac: {  	s0 =	sadd.f32 $9.999999960e-13, s0  }
0xad: {  	s24 =	smul.f32 s23, s21  }
0xae: {  	s25 =	sshrl.u32 s0, $0x1;
	s21 =	smul.f32 $5.000000000e-01, s0  }
0xaf: {  	s0 =	ssub.s32 $0x5F3759DF, s25;
	s24 =	ssub.f32 $1.500000000e+00, s24  }
0xb0: {  	s25 =	smul.f32 s0, s21  }
0xb1: {  	s24 =	smul.f32 s23, s24  }
0xb2: {  	s23 =	smul.f32 s0, s25  }
0xb3: {  	s25 =	smul.f32 s24, s22;
	s26 =	spop (v2sf)  }
0xb4: {  	s23 =	ssub.f32 $1.500000000e+00, s23;
	s26 =	smul.f32 $1.562500000e-02, s26  }
0xb5: {  	s25 =	smul.f32 s25, s24  }
0xb6: {  	s28 =	spop (v2sf);
	s23 =	smul.f32 s0, s23  }
0xb7: {  	s29 =	smul.f32 s26, s26  }
0xb8: {  	v14 =	vmov s26;
	s26 =	smul.f32 $1.562500000e-02, s28  }
0xb9: {  	v16 =	vsub.f32 v10, v14;
	v20 =	vsub.f32 v12, v14;
	s0 =	spop (v2sf);
	s25 =	ssub.f32 $1.500000000e+00, s25  }
0xba: {  	v13 =	vsub.f32 v13, v14;
	v14 =	vsub.f32 v11, v14;
	s0 =	smul.f32 $1.562500000e-02, s0;
	s26 =	ssub.f32 s26, s29  }
0xbb: {  	s28 =	spop (v2sf);
	s29 =	smul.f32 s25, s24  }
0xbc: {  	s28 =	smul.f32 $1.562500000e-02, s28;
	v22 =	vmov s0  }
0xbd: {  	s0 =	smul.f32 s0, s0;
	v10 =	vsub.f32 v23, v22;
	v12 =	vsub.f32 v9, v22  }
0xbe: {  	s24 =	sadd.f32 $9.999999960e-13, s26;
	s26 =	smul.f32 s23, s21;
	v11 =	vsub.f32 v24, v22;
	v9 =	vsub.f32 v8, v22  }
0xbf: {  	s22 =	smul.f32 s29, s22;
	s0 =	ssub.f32 s28, s0  }
0xc0: {  	s25 =	sshrl.u32 s24, $0x1;
	s24 =	smul.f32 $5.000000000e-01, s24  }
0xc1: {  	s30 =	ssub.s32 $0x5F3759DF, s25;
	s25 =	smul.f32 s22, s29;
	s0 =	sadd.f32 $9.999999960e-13, s0  }
0xc2: {  	s28 =	smul.f32 s30, s24  }
0xc3: {  	s22 =	smul.f32 $5.000000000e-01, s0  }
0xc4: {  	s31 =	sshrl.u32 s0, $0x1;
	s0 =	ssub.f32 $1.500000000e+00, s25;
	s28 =	smul.f32 s30, s28  }
.Ltmp0:
0xc5: {  	s25 =	ssub.s32 $0x5F3759DF, s31;
	(pc) =	sbr.rel @p0 .LBB2_3-.Ltmp0, $4  }
0xc6: {  	s0 =	smul.f32 s0, s29  }
0xc7: {  	s31 =	ssub.f32 $1.500000000e+00, s28;
	s29 =	smul.f32 s25, s22  }
0xc8: {  	s28 =	smul.f32 s26, s23;
	v22 =	vmul.f32 s0, v21;
	v21 =	vmul.f32 s0, v27  }
0xc9: {  	s26 =	smul.f32 s30, s31;
	v8 =	vmul.f32 s0, v28;
	v23 =	vmul.f32 s0, v26  }
0xca: {  	s0 =	smul.f32 s25, s29;
	s18 =	ssub.f32 $1.500000000e+00, s28  }
0xcb: {  	s20 =	smul.f32 s26, s24  }
0xcc: {  	s18 =	smul.f32 s18, s23  }
0xcd: {  	s0 =	ssub.f32 $1.500000000e+00, s0;
	s20 =	smul.f32 s20, s26  }
0xce: {  	s21 =	smul.f32 s18, s21  }
0xcf: {  	s0 =	smul.f32 s25, s0  }
0xd0: {  	s20 =	ssub.f32 $1.500000000e+00, s20;
	s21 =	smul.f32 s21, s18  }
0xd1: {  	s30 =	smul.f32 s0, s22  }
0xd2: {  	s20 =	smul.f32 s20, s26  }
0xd3: {  	s21 =	ssub.f32 $1.500000000e+00, s21;
	s23 =	smul.f32 s30, s0  }
0xd4: {  	s31 =	smul.f32 s20, s24  }
0xd5: {  	s18 =	smul.f32 s21, s18;
	s23 =	ssub.f32 $1.500000000e+00, s23  }
0xd6: {  	s25 =	smul.f32 s31, s20  }
0xd7: {  	v22 =	vmul.f32 v22, v0;
	s0 =	smul.f32 s23, s0  }
0xd8: {  	v21 =	vmul.f32 v21, v1;
	s26 =	ssub.f32 $1.500000000e+00, s25  }
0xd9: {  	v23 =	vmul.f32 v23, v3;
	v22 =	vadd.f32 v22, v4;
	v19 =	vmul.f32 s18, v19;
	s28 =	smul.f32 s0, s22  }
0xda: {  	v8 =	vmul.f32 v8, v2;
	v50 =	vadd.f32 v21, v5;
	v17 =	vmul.f32 s18, v17;
	s20 =	smul.f32 s26, s20  }
0xdb: {  	v23 =	vadd.f32 v23, v7;
	[tilespmem:s19+$0x40] =	vst v22;
	v18 =	vmul.f32 s18, v18;
	v19 =	vmul.f32 v19, v2;
	s29 =	smul.f32 s28, s0  }
0xdc: {  	v8 =	vadd.f32 v8, v6;
	[tilespmem:s19+$0x60] =	vst v50;
	v15 =	vmul.f32 s18, v15;
	v17 =	vmul.f32 v17, v3  }
0xdd: {  	[tilespmem:s19+$0x70] =	vst v23;
	v18 =	vmul.f32 v18, v1;
	v19 =	vadd.f32 v19, v6;
	v20 =	vmul.f32 s20, v20;
	s30 =	ssub.f32 $1.500000000e+00, s29  }
0xde: {  	[tilespmem:s19+$0x50] =	vst v8;
	v51 =	vmul.f32 v15, v0;
	v52 =	vadd.f32 v17, v7;
	v16 =	vmul.f32 s20, v16  }
0xdf: {  	v53 =	vadd.f32 v18, v5;
	v14 =	vmul.f32 s20, v14;
	[tilespmem:s19+$0x10] =	vst v19;
	v54 =	vmul.f32 v20, v1;
	s0 =	smul.f32 s30, s0  }
0xe0: {  	v8 =	vadd.f32 v51, v4;
	v13 =	vmul.f32 s20, v13;
	[tilespmem:s19+$0x30] =	vst v52;
	v55 =	vmul.f32 v16, v0  }
0xe1: {  	[tilespmem:s19+$0x20] =	vst v53;
	v14 =	vmul.f32 v14, v3;
	v56 =	vadd.f32 v54, v5;
	v12 =	vmul.f32 s0, v12  }
0xe2: {  	[tilespmem:s19+$0x0] =	vst v8;
	v13 =	vmul.f32 v13, v2;
	v57 =	vadd.f32 v55, v4;
	v10 =	vmul.f32 s0, v10  }
0xe3: {  	v14 =	vadd.f32 v14, v7;
	v11 =	vmul.f32 s0, v11;
	[tilespmem:s19+$0xFFFFFFA0] =	vst v56;
	v58 =	vmul.f32 v12, v2  }
0xe4: {  	v59 =	vadd.f32 v13, v6;
	v9 =	vmul.f32 s0, v9;
	[tilespmem:s19+$0xFFFFFF80] =	vst v57;
	v60 =	vmul.f32 v10, v0  }
0xe5: {  	[tilespmem:s19+$0xFFFFFFB0] =	vst v14;
	v61 =	vmul.f32 v11, v1;
	v2 =	vadd.f32 v58, v6  }
0xe6: {  	[tilespmem:s19+$0xFFFFFF90] =	vst v59;
	v62 =	vmul.f32 v9, v3;
	v0 =	vadd.f32 v60, v4  }
0xe7: {  	v1 =	vadd.f32 v61, v5;
	[tilespmem:s19+$0xFFFFFFD0] =	vst v2  }
0xe8: {  	s16 =	sadd.s32 $0x1, s16;
	v63 =	vadd.f32 v62, v7;
	[tilespmem:s19+$0xFFFFFFC0] =	vst v0  }
0xe9: {  	p0 =	sne.s32 s16, $0x19;
	s31 =	sshll.u32 s17, $0x3;
	[tilespmem:s19+$0xFFFFFFE0] =	vst v1  }
.Ltmp1:
0xea: {  	s0 =	sadd.s32 s3, s31;
	[tilespmem:s19+$0xFFFFFFF0] =	vst v63;
	(pc) =	sbr.rel @p0 .LBB2_2-.Ltmp1, $4  }
0xeb: {  	[hbm4b:s0+s5] =	stream.linear.scatter [tilespmem:s13], [sflag:$0x2], $0x10000, $0x38;
	[tilespmem:$0x10480] =	vst v63  }
0xec: {  	_ =	swait.ge [sflag:s11], $0x10000  }
0xed: {  	[sflag:s11] =	ssyncset.done $0x0  }
0xee: {  	[sflag:s11] =	ssyncadd.s32 $0xFFFF0000  }
0xef: {  	s15 =	sadd.s32 $0x1, s15  }
0xf0: {  	p0 =	sne.s32 s15, s9  }
.Ltmp2:
0xf1: {  	_ = 	snop;
	(pc) =	sbr.rel @p0 .LBB2_1-.Ltmp2, $1  }
0xf2: {  	_ =	sdelay $0x3  }
0xf3: {  	_ =	sfence.sel $0x180000  }
0xf4: {  	[bflag:$0x0] =	sbarrier.arrive $0xFFFF  }
0xf5: {  	_ =	strace $0x90000047  }
0xf6: {  	[bflag:$0x2] =	sbarrier.arrive $0xFFFF  }
0xf7: {  	p0 =	sne.s32 s4, $0x0;
	s0 =	rddreg [dreg:$0x4]  }
0xf8: {  	s0 =	sadd.s32 @!p0 $0x100000, s0  }
0xf9: {  	[sflag:s0] =	ssyncadd.tile.s32 @!p0 $0x1;
	_ =	shalt  }
.Lfunc_end2:
_tile_overlayer_lowered:
.L_overlay_start_2:
0xfa: {  	(tag) =	ssettag $0x2  }
0xfb: {  	s0 =	rddreg [dreg:$0x0];
	s2 =	stileid.u32  }
0xfc: {  	s1 =	rddreg [dreg:$0x1];
	p0 =	sne.s32 s2, $0x0  }
0xfd: {  	s3 =	rddreg [dreg:$0x2];
	[bflag:$0x3] =	sbarrier.arrive $0xFFFF;
	s2 =	simm.s32 @!p0 $0x1C02  }
0xfe: {  	[timem:s3], [sflag:s2] =	dma.local @!p0 [hbm:s0], s1  }
0xff: {  	s0 =	simm.s32 @!p0 $0x2  }
0x100: {  	_ =	swait.ge @!p0 [sflag:s0], s1  }
0x101: {  	s1 =	ssub.s32 @!p0 $0x0, s1;
	[sflag:s0] =	ssyncset.done @!p0 $0x0  }
0x102: {  	[sflag:s0] =	ssyncadd.s32 @!p0 s1  }
0x103: {  	[bflag:$0x3] =	sbarrier.arrive $0xFFFF  }
0x104: {  	_ =	shalt  }

// kernel: sparse-core-data-format-call.cloned.1.call-start
scs
called_computation_lowered:
.L_overlay_start_0:
0x0: {  	s2 =	sld [smem:$0x3FD9]  }
0x1: {  	s3 =	sld [smem:$0x3FFE];
	_ =	sdelay $0x1  }
0x2: {  	s1 =	srdreg.scid  }
0x3: {  	s0 =	sand.u32 $0x1, s1  }
0x4: {  	s18 =	sshll.u32 s0, $0xA;
	s2 =	sadd.s32 s3, s2  }
0x5: {  	s2 =	sadd.s32 s2, s18  }
0x6: {  	[smem:$0x3FC4] =	sst s2  }
0x7: {  	_ = 	snop  }
0x8: {  	s2 =	sld [smem:$0x3FD0];
	(tm) =	ssettm $0x1  }
0x9: {  	s19 =	sld [smem:$0x3FFB];
	_ =	sdelay $0x3  }
0xa: {  	_ =	strace s19  }
0xb: {  	s3 =	sld [smem:$0x3FFC];
	_ =	sdelay $0x3  }
0xc: {  	_ =	strace s3  }
0xd: {  	s3 =	sld [smem:$0x3FFD];
	_ =	sdelay $0x3  }
0xe: {  	_ =	strace s3  }
0xf: {  	_ =	strace $0x8FFFFFFF  }
0x10: {  	s20 =	sld [smem:$0x3FDB];
	_ =	sdelay $0x1  }
0x11: {  	s4 =	simm.s32 $_scs_section_size  }
0x12: {  	s5 =	simm.s32 $_size__tile_overlayer_lowered;
	s6 =	simm.s32 $_tile_overlayer_lowered  }
0x13: {  	s23 =	simm.s32 $0x1BFF;
	s22 =	sshll.u32 s6, $0x1;
	s3 =	sadd.s32 s4, s20  }
0x14: {  	s7 =	simm.s32 $0x0;
	s21 =	sshll.u32 s5, $0x1;
	s5 =	sadd.s32 s22, s3  }
0x15: {  	[timem:s7], [sflag:s23] =	dma.local [hbm:s5], s21  }
0x16: {  	_ =	swait.ge [sflag:s23], s21  }
0x17: {  	s4 =	ssub.s32 $0x0, s21;
	[sflag:s23] =	ssyncset.done $0x0  }
0x18: {  	[sflag:s23] =	ssyncadd.s32 s4;
	_ =	sdelay $0x1  }
0x19: {  	s24 =	simm.s32 $0x1B8B  }
0x1a: {  	_ =	swait.ge [sflag:s24], $0x1  }
0x1b: {  	[sflag:s24] =	ssyncset.done $0x0  }
0x1c: {  	s26 =	simm.s32 $0x1B8E;
	s25 =	sld [smem:$0x3FFE];
	[sflag:s24] =	ssyncadd.s32 $0xFFFFFFFF  }
0x1d: {  	s27 =	simm.s32 $execute0_lowered;
	[smem:$0x3FD2] =	sst s26  }
0x1e: {  	s5 =	sshll.u32 s27, $0x1;
	_ =	strace $0x80000049;
	[dreg:$0x1] =	wrdreg $0xFFFFFFFF  }
0x1f: {  	s28 =	simm.s32 $_size_execute0_lowered;
	s3 =	sadd.s32 s3, s5;
	[dreg:$0x0] =	wrdreg $0x0  }
0x20: {  	s5 =	sshll.u32 s28, $0x1;
	[dreg:$0x2] =	wrdreg s3  }
0x21: {  	[dreg:$0x3] =	wrdreg s5  }
0x22: {  	[dreg:$0x4] =	wrdreg $0xC0  }
0x23: {  	_ =	task [dreg:s7], $0x5FFFF  }
0x24: {  	[dreg:$0x1] =	wrdreg $0xFFFFFFFF  }
0x25: {  	[dreg:$0x0] =	wrdreg $0x60  }
0x26: {  	[dreg:$0x2] =	wrdreg s25  }
0x27: {  	[dreg:$0x3] =	wrdreg s2  }
0x28: {  	[dreg:$0x4] =	wrdreg $0x9  }
0x29: {  	_ =	task.clear_ibuf [dreg:s7], $0x5FFFF;
	_ =	strace $0x90000049  }
0x2a: {  	s29 =	simm.s32 $0x9;
	_ =	strace $0x8000004B  }
0x2b: {  	_ =	swait.ge [sflag:s29], $0x1  }
0x2c: {  	[sflag:s29] =	ssyncadd.s32 $0xFFFFFFFF  }
0x2d: {  	_ =	strace $0x9000004B  }
0x2e: {  	_ =	sfence  }
0x2f: {  	s30 =	sld [smem:$0x0];
	_ =	sdelay $0x2  }
0x30: {  	s31 =	sshll.u32 s1, $0xD;
	s1 =	sshrl.u32 s1, $0x2  }
0x31: {  	s3 =	sand.u32 $0x4000, s31;
	s1 =	sadd.s32 s1, s30  }
0x32: {  	s0 =	sor.u32 s3, s0;
	s1 =	sshll.u32 s1, $0x11  }
0x33: {  	s0 =	sor.u32 s1, s0  }
0x34: {  	s0 =	sadd.s32 $0x8F2B, s0  }
0x35: {  	[sflag:s0] =	ssyncadd.remote.s32 $0x1  }
0x36: {  	_ =	sfence.sel $0xFFFF  }
0x37: {  	[dreg:$0x0] =	wrdreg $0xFFFFFFFF;
	(pc) =	sbr.abs _section_cstart, $3  }
0x38: {  	[dreg:$0x1] =	wrdreg $0xFFFFFFFF  }
0x39: {  	_ =	task.clear_ibuf [dreg:s7], $0x2FFFF;
	_ =	strace $0x9FFFFFFF  }
0x3a: {  	(tm) =	ssettm $0x7FFFFFFF  }
0x3b: {  	_ =	shalt  }
tec
execute0_lowered:
.L_overlay_start_1:
0x0: {  	(tag) =	ssettag $0x1  }
0x1: {  	s0 =	srdreg.scid  }
0x2: {  	s1 =	sshll.u32 s0, $0x4  }
0x3: {  	s0 =	stileid.u32;
	s1 =	sand.u32 $0x10, s1  }
0x4: {  	s1 =	sor.u32 s0, s1  }
0x5: {  	s6 =	rddreg [dreg:$0x0];
	s4 =	simm.s32 $0x1;
	s2 =	sshll.u32 s1, $0x7  }
0x6: {  	s7 =	simm.s32 $0x2;
	s12 =	simm.s32 $0x0;
	s1 =	ssub.s32 $0x1000, s2  }
0x7: {  	s8 =	simm.s32 $0x8000;
	s13 =	simm.s32 $0x0;
	s3 =	sand.u32 $0xF80, s1  }
0x8: {  	s9 =	simm.s32 $0x0;
	s5 =	sshrl.u32 s1, $0xC;
	p0 =	sne.s32 s3, $0x0  }
.Ltmp0:
0x9: {  	s1 =	rddreg [dreg:$0x2];
	s4 =	simm.s32 @!p0 $0x0;
	(pc) =	sbr.rel .LBB1_1-.Ltmp0, $4  }
0xa: {  	s11 =	simm.s32 $0x0;
	s3 =	rddreg [dreg:$0x1];
	s5 =	sadd.s32 s4, s5  }
0xb: {  	_ =	strace $0x8000004A;
	s4 =	simm.s32 $0x1;
	s5 =	smul.u32 $0xC8, s5  }
0xc: {  	s6 =	sadd.s32 $0xA00, s6;
	s10 =	smov.u32 s2;
	[sflag:s4] =	ssyncpa.u1 $0x0  }
0xd: {  	p0 =	por $0x0, $0x0;
	[sflag:s7] =	ssyncpa.u1 $0x0;
	s7 =	sor.u32 $0x1, s5  }
.LBB1_4:
0xe: {  	s16 =	sshll.u32 s13, $0x3;
	s17 =	sand.u32 $0x78, s13  }
0xf: {  	s30 =	sand.u32 $0x7E00, s13;
	s12 =	sshll.u32 s12, $0xF;
	s16 =	sand.u32 $0xC00, s16  }
0x10: {  	[tilespmem:s15+$0x810 ss:$0x81] =	vst.msk $0xffff, v2;
	s31 =	sand.u32 $0x7, s13;
	s16 =	sor.u32 s17, s16;
	s17 =	sadd.s32 s3, s30  }
0x11: {  	[tilespmem:s15+$0x1020 ss:$0x81] =	vst.msk $0xffff, v0;
	s13 =	sshll.u32 s31, $0x12;
	s12 =	sadd.s32 s12, s17;
	s16 =	sshrl.u32 s16, $0x3  }
0x12: {  	[tilespmem:s15+$0x0 ss:$0x81] =	vst.msk $0xffff, v1;
	s13 =	sor.u32 $0x400, s13;
	s12 =	sadd.s32 s16, s12  }
0x13: {  	[hbm4b:s12+s13] =	stream.strided.scatter [tilespmem:s14], [sflag:$0x2], $0x2000, s8, s13, $0x20;
	[tilespmem:$0x8080] =	vst v63  }
.LBB1_5:
0x14: {  	s14 =	sadd.s32 $0x1, s9  }
0x15: {  	s12 =	sadd.s32 $0x1000, s10;
	s16 =	smov.u32 s10;
	p2 =	sgt.s32 s14, $0xC7  }
0x16: {  	s16 =	smov.u32 @p2 s12  }
0x17: {  	s14 =	simm.s32 @p2 $0x0;
	p2 =	sgt.s32 s16, $0xFFF  }
0x18: {  	s16 =	smov.u32 @p2 s2;
	p2 =	sne.s32 s11, s7  }
.Ltmp1:
0x19: {  	p1 =	slt.u32 s11, $0x2;
	(pc) =	sbr.rel @!p2 .LBB1_6-.Ltmp1, $4  }
0x1a: {  	s15 =	simm.s32 @!p1 $0x2  }
0x1b: {  	s13 =	smov.u32 s10;
	p0 =	por !p0, !p0;
	_ =	swait.ge @!p1 [sflag:s15], $0x2000  }
0x1c: {  	s12 =	smov.u32 s9;
	[sflag:s15] =	ssyncset.done @!p1 $0x0;
	s9 =	smov.u32 s14  }
0x1d: {  	s11 =	sadd.s32 $0x1, s11;
	[sflag:s15] =	ssyncadd.s32 @!p1 $0xFFFFE000;
	s10 =	smov.u32 s16  }
.LBB1_1:
0x1e: {  	p1 =	sge.u32 s11, s5  }
0x1f: {  	s14 =	sand.u32 @!p1 $0x1FFFFFF, s9  }
0x20: {  	s15 =	smulhi.u32 @!p1 $0x147AE15, s14;
	_ =	sdelay $0x1  }
0x21: {  	s15 =	smul.u32 @!p1 $0xC8, s15  }
0x22: {  	s16 =	sxor.u32 @!p1 $0xFFFFFFFF, s11;
	s17 =	smul.u32 @!p1 $0xC80, s10  }
0x23: {  	s31 =	sadd.s32 $0xFFFFFFFF, s11;
	s16 =	sshll.u32 @!p1 s16, $0xD;
	s14 =	ssub.s32 @!p1 s14, s15  }
0x24: {  	s15 =	sand.u32 @!p1 $0x2000, s16;
	s16 =	sadd.s32 @!p1 s6, s17;
	s14 =	sshll.u32 @!p1 s14, $0x4  }
0x25: {  	s17 =	simm.s32 @!p1 $0x6400;
	s14 =	sadd.s32 @!p1 s14, s16;
	s16 =	simm.s32 @!p1 $0x40  }
0x26: {  	[tilespmem:s15], [sflag:$0x1] =	stream.strided.gather @!p1 [hbm4b:s14+s16], $0x2000, s17, s16, $0x38;
	[tilespmem:$0x8080] =	vst v63  }
0x27: {  	p1 =	sge.u32 s31, s5  }
.Ltmp2:
0x28: {  	_ = 	snop;
	(pc) =	sbr.rel @p1 .LBB1_5-.Ltmp2, $1  }
0x29: {  	_ =	sdelay $0x3  }
0x2a: {  	s14 =	simm.s32 $0x1  }
0x2b: {  	_ =	swait.ge [sflag:s4], $0x2000;
	s14 =	simm.s32 @!p0 $0x0  }
0x2c: {  	[sflag:s4] =	ssyncset.done $0x0;
	s15 =	sshll.u32 s14, $0xD  }
0x2d: {  	[sflag:s4] =	ssyncadd.s32 $0xFFFFE000;
	s18 =	sor.u32 $0x20, s15  }
0x2e: {  	s14 =	smul.u32 $0x8100, s14;
	v3 =	vld [tilespmem:s18+$0x10]  }
0x2f: {  	s30 =	sand.u32 $0x1, s11;
	v2 =	vld [tilespmem:s18+$0xFFFFFFF0]  }
0x30: {  	s15 =	smul.u32 $0x8100, s30;
	s14 =	sshrl.u32 s14, $0x2;
	v0 =	vld [tilespmem:s18+$0x0]  }
0x31: {  	v1 =	vld [tilespmem:s18+$0xFFFFFFE0];
	s16 =	sor.u32 $0x4000, s14  }
0x32: {  	s31 =	sshrl.u32 s15, $0x2;
	s15 =	sadd.s32 $0x0, s16  }
0x33: {  	s17 =	simm.s32 $0x4;
	s18 =	sadd.s32 $0x40, s18;
	s14 =	sor.u32 $0x4000, s31;
	[tilespmem:s15+$0x1830 ss:$0x81] =	vst.msk $0xffff, v3  }
.LBB1_3:
0x34: {  	v3 =	vld [tilespmem:s18+$0x10];
	p1 =	sne.s32 s17, $0x1FC;
	[tilespmem:s15+$0x810 ss:$0x81] =	vst.msk $0xffff, v2;
	s19 =	smov.u32 s17;
	s17 =	sadd.s32 $0x4, s17  }
.Ltmp3:
0x35: {  	v2 =	vld [tilespmem:s18+$0xFFFFFFF0];
	[tilespmem:s15+$0x1020 ss:$0x81] =	vst.msk $0xffff, v0;
	(pc) =	sbr.rel @p1 .LBB1_3-.Ltmp3, $4  }
0x36: {  	v0 =	vld [tilespmem:s18+$0x0];
	[tilespmem:s15+$0x0 ss:$0x81] =	vst.msk $0xffff, v1  }
0x37: {  	s15 =	sshra.s32 s19, $0x2;
	v1 =	vld [tilespmem:s18+$0xFFFFFFE0]  }
0x38: {  	s15 =	sadd.s32 s15, s16  }
0x39: {  	s18 =	sadd.s32 $0x40, s18;
	[tilespmem:s15+$0x1830 ss:$0x81] =	vst.msk $0xffff, v3  }
.Ltmp4:
0x3a: {  	_ = 	snop;
	(pc) =	sbr.rel .LBB1_4-.Ltmp4, $1  }
0x3b: {  	_ =	sdelay $0x3  }
.LBB1_6:
0x3c: {  	_ =	sfence.sel $0x180000  }
0x3d: {  	s2 =	simm.s32 $0x1;
	[bflag:$0x0] =	sbarrier.arrive $0xFFFF  }
0x3e: {  	s31 =	simm.s32 $0x2;
	[sflag:s2] =	ssyncpa.u1 $0x1  }
0x3f: {  	[sflag:s31] =	ssyncpa.u1 $0x1  }
0x40: {  	p0 =	sne.s32 s0, $0x0;
	_ =	strace $0x9000004A  }
0x41: {  	s0 =	sadd.s32 @!p0 $0x100000, s1;
	[bflag:$0x2] =	sbarrier.arrive $0xFFFF  }
0x42: {  	[sflag:s0] =	ssyncadd.tile.s32 @!p0 $0x1;
	_ =	shalt  }
.Lfunc_end1:
_tile_overlayer_lowered:
.L_overlay_start_2:
0x43: {  	(tag) =	ssettag $0x2  }
0x44: {  	s0 =	rddreg [dreg:$0x0];
	s2 =	stileid.u32  }
0x45: {  	s1 =	rddreg [dreg:$0x1];
	p0 =	sne.s32 s2, $0x0  }
0x46: {  	s3 =	rddreg [dreg:$0x2];
	[bflag:$0x3] =	sbarrier.arrive $0xFFFF;
	s2 =	simm.s32 @!p0 $0x1C01  }
0x47: {  	[timem:s3], [sflag:s2] =	dma.local @!p0 [hbm:s0], s1  }
0x48: {  	s0 =	simm.s32 @!p0 $0x1  }
0x49: {  	_ =	swait.ge @!p0 [sflag:s0], s1  }
0x4a: {  	s1 =	ssub.s32 @!p0 $0x0, s1;
	[sflag:s0] =	ssyncset.done @!p0 $0x0  }
0x4b: {  	[sflag:s0] =	ssyncadd.s32 @!p0 s1  }
0x4c: {  	[bflag:$0x3] =	sbarrier.arrive $0xFFFF  }
0x4d: {  	_ =	shalt  }

</sc_bundles>
